<compile_context>
chip_gen: v7x
topology: tpu7x:2x2x1
jax: 0.10.2.dev20260603
libtpu: 0.0.44.dev20260713+nightly
codegen_flags: <defaults>
</compile_context>

<pallas_src>
import functools

import jax
import jax.numpy as jnp
from jax import lax
from jax.experimental import pallas as pl
from jax.experimental.pallas import tpu as pltpu
from jax.experimental.pallas import tpu_sc as plsc

DIM = 16
K = 10
B = 1024
N = 1000
NP = 1024
NLANE = 16
NCHUNK = 16
CLEN = NP // NCHUNK
JVALID = N - (NCHUNK - 1) * CLEN
NC = 2
NS = 16
NW = NC * NS
RPW = B // NW
CAND = NP + NLANE
BLK = 128


def _tc_scores_body(bp_ref, ipt_ref, v_ref, out_ref, cmax_ref, cmin_ref):
    bp = bp_ref[...]
    ipt = ipt_ref[...]
    vv = v_ref[...].astype(jnp.bfloat16).astype(jnp.float32)
    acc = jnp.zeros((BLK, NP), jnp.float32)
    for d in range(DIM):
        h = jnp.tanh(bp[:, d:d + 1] + ipt[d:d + 1, :])
        hq = h.astype(jnp.bfloat16).astype(jnp.float32)
        acc = acc + vv[0:1, d:d + 1] * hq
    out_ref[...] = acc

    inv = (lax.broadcasted_iota(jnp.int32, (1, 128), 1) % NCHUNK) == NCHUNK - 1
    neg = jnp.float32(-jnp.inf)
    pos = jnp.float32(jnp.inf)
    cols_t = [acc[:, k * 128:(k + 1) * 128] for k in range(8)]
    cols_b = list(cols_t)
    for k in range(5, 8):
        cols_t[k] = jnp.where(inv, neg, cols_t[k])
        cols_b[k] = jnp.where(inv, pos, cols_b[k])
    mx = functools.reduce(jnp.maximum, cols_t)
    mn = functools.reduce(jnp.minimum, cols_b)
    for w in (64, 32, 16):
        mx = jnp.maximum(mx[:, :w], mx[:, w:2 * w])
        mn = jnp.minimum(mn[:, :w], mn[:, w:2 * w])
    cmax_ref[...] = mx
    cmin_ref[...] = mn


@functools.cache
def _tc_scores(nrows):
    return pl.pallas_call(
        _tc_scores_body,
        grid=(nrows // BLK,),
        in_specs=[
            pl.BlockSpec((BLK, DIM), lambda i: (i, 0)),
            pl.BlockSpec((DIM, NP), lambda i: (0, 0)),
            pl.BlockSpec((1, DIM), lambda i: (0, 0)),
        ],
        out_specs=[pl.BlockSpec((BLK, NP), lambda i: (i, 0)),
                   pl.BlockSpec((BLK, NCHUNK), lambda i: (i, 0)),
                   pl.BlockSpec((BLK, NCHUNK), lambda i: (i, 0))],
        out_shape=[jax.ShapeDtypeStruct((nrows, NP), jnp.float32),
                   jax.ShapeDtypeStruct((nrows, NCHUNK), jnp.float32),
                   jax.ShapeDtypeStruct((nrows, NCHUNK), jnp.float32)],
    )


def _sc_topk_body(rpw, scores_hbm, cmax_hbm, cmin_hbm, pos_hbm, neg_hbm,
                  rows_v, cmax_v, cmin_v, tk_v, ti_v, bk_v, bi_v, pos_v, neg_v):
    wid = lax.axis_index("s") * NC + lax.axis_index("c")
    base = wid * rpw
    pltpu.sync_copy(scores_hbm.at[pl.ds(base, rpw)], rows_v)
    pltpu.sync_copy(cmax_hbm.at[pl.ds(base, rpw)], cmax_v)
    pltpu.sync_copy(cmin_hbm.at[pl.ds(base, rpw)], cmin_v)

    lanes = lax.iota(jnp.int32, NLANE)
    lane_last = lanes == (NCHUNK - 1)
    neg_inf = jnp.full((NLANE,), -jnp.inf, jnp.float32)
    pos_inf = jnp.full((NLANE,), jnp.inf, jnp.float32)

    def row_body(r, _):
        tt = jnp.sort(cmax_v[r, :])[jnp.zeros((NLANE,), jnp.int32)]
        tb = jnp.sort(cmin_v[r, :])[jnp.full((NLANE,), NLANE - 1, jnp.int32)]

        def cpt(j, carry):
            ct, cb = carry
            vv = rows_v[r, pl.ds(j * NLANE, NLANE)]
            valid = jnp.logical_not(jnp.logical_and(lane_last, j >= JVALID))
            idx = lanes * CLEN + j
            mt = jnp.logical_and(vv >= tt, valid)
            mb = jnp.logical_and(vv <= tb, valid)
            plsc.store_compressed(tk_v.at[pl.ds(ct, NLANE)], vv, mask=mt)
            plsc.store_compressed(ti_v.at[pl.ds(ct, NLANE)], idx, mask=mt)
            plsc.store_compressed(bk_v.at[pl.ds(cb, NLANE)], vv, mask=mb)
            plsc.store_compressed(bi_v.at[pl.ds(cb, NLANE)], idx, mask=mb)
            nt = plsc.all_reduce_population_count(mt)[0]
            nb = plsc.all_reduce_population_count(mb)[0]
            return ct + nt, cb + nb
        ct, cb = lax.fori_loop(0, CLEN, cpt, (jnp.int32(0), jnp.int32(0)))

        tk_v[pl.ds(ct, NLANE)] = neg_inf
        ti_v[pl.ds(ct, NLANE)] = jnp.zeros((NLANE,), jnp.int32)
        bk_v[pl.ds(cb, NLANE)] = pos_inf
        bi_v[pl.ds(cb, NLANE)] = jnp.zeros((NLANE,), jnp.int32)

        ak, ai = plsc.sort_key_val(tk_v[pl.ds(0, NLANE)], ti_v[pl.ds(0, NLANE)])

        def mrg_t(k, carry):
            ck, ci = carry
            sk, si = plsc.sort_key_val(tk_v[pl.ds(k * NLANE, NLANE)],
                                       ti_v[pl.ds(k * NLANE, NLANE)],
                                       descending=True)
            m = ck >= sk
            return tuple(plsc.sort_key_val(jnp.where(m, ck, sk),
                                           jnp.where(m, ci, si)))
        nch_t = (ct + NLANE - 1) // NLANE
        ak, ai = lax.fori_loop(1, nch_t, mrg_t, (ak, ai))
        _, fi = plsc.sort_key_val(ak, ai, descending=True)
        pos_v[r, :] = fi

        dk, di = plsc.sort_key_val(bk_v[pl.ds(0, NLANE)], bi_v[pl.ds(0, NLANE)],
                                   descending=True)

        def mrg_b(k, carry):
            ck, ci = carry
            sk, si = plsc.sort_key_val(bk_v[pl.ds(k * NLANE, NLANE)],
                                       bi_v[pl.ds(k * NLANE, NLANE)])
            m = ck <= sk
            return tuple(plsc.sort_key_val(jnp.where(m, ck, sk),
                                           jnp.where(m, ci, si),
                                           descending=True))
        nch_b = (cb + NLANE - 1) // NLANE
        dk, di = lax.fori_loop(1, nch_b, mrg_b, (dk, di))
        _, gi = plsc.sort_key_val(dk, di)
        neg_v[r, :] = gi
        return 0

    lax.fori_loop(0, rpw, row_body, 0)
    pltpu.sync_copy(pos_v, pos_hbm.at[pl.ds(base, rpw)])
    pltpu.sync_copy(neg_v, neg_hbm.at[pl.ds(base, rpw)])


@functools.cache
def _sc_topk(nrows):
    rpw = nrows // NW
    return functools.partial(
        pl.kernel,
        out_type=(jax.ShapeDtypeStruct((nrows, NLANE), jnp.int32),
                  jax.ShapeDtypeStruct((nrows, NLANE), jnp.int32)),
        mesh=plsc.VectorSubcoreMesh(core_axis_name="c", subcore_axis_name="s",
                                    num_cores=NC, num_subcores=NS),
        scratch_types=[
            pltpu.VMEM((rpw, NP), jnp.float32),
            pltpu.VMEM((rpw, NCHUNK), jnp.float32),
            pltpu.VMEM((rpw, NCHUNK), jnp.float32),
            pltpu.VMEM((CAND,), jnp.float32),
            pltpu.VMEM((CAND,), jnp.int32),
            pltpu.VMEM((CAND,), jnp.float32),
            pltpu.VMEM((CAND,), jnp.int32),
            pltpu.VMEM((rpw, NLANE), jnp.int32),
            pltpu.VMEM((rpw, NLANE), jnp.int32),
        ],
        compiler_params=pltpu.CompilerParams(needs_layout_passes=False),
    )(functools.partial(_sc_topk_body, rpw))


def kernel(basket_emb, item_emb, Wb, Wi, v):
    bp = basket_emb @ Wb.T
    ip = item_emb @ Wi.T
    bp, ip = lax.optimization_barrier((bp, ip))
    m = jnp.arange(NP)
    n_of_m = (m % NCHUNK) * CLEN + m // NCHUNK
    ip_pad = jnp.where((n_of_m < N)[:, None],
                       ip[jnp.minimum(n_of_m, N - 1)], 0.0)
    ipt = ip_pad.T
    vv = v.reshape(1, DIM)
    nsplit = 2
    part = B // nsplit
    tc = _tc_scores(part)
    sc = _sc_topk(part)
    tc_outs = [tc(bp[i * part:(i + 1) * part], ipt, vv) for i in range(nsplit)]
    sc_outs = [sc(*o) for o in tc_outs]
    pos = jnp.concatenate([o[0] for o in sc_outs], axis=0)
    neg = jnp.concatenate([o[1] for o in sc_outs], axis=0)
    return pos[:, :K], neg[:, :K]

# --- scband reference (transcript-rebuilt; emitter-appended) ---
"""Pipeline reference for scband-adaptive-edge-sampler-21182778703895 (READ-ONLY COPY).

The authoritative reference and input builder live on the scoring server;
editing this copy changes nothing except your own understanding.
"""

import jax, jax.numpy as jnp
import numpy as np

DIM = 16
K = 10
B = 1024
N = 1000

def setup_inputs(seed: int = 0) -> dict:
    key = jax.random.key(seed)
    k1, k2, k3, k4, k5 = jax.random.split(key, 5)
    basket_emb = jax.random.normal(k1, (B, DIM), dtype=jnp.float32)
    item_emb = jax.random.normal(k2, (N, DIM), dtype=jnp.float32)
    # nn.Linear(dim, dim, bias=False) weights, stored [out, in] like torch
    bound = 1.0 / np.sqrt(DIM)
    Wb = jax.random.uniform(k3, (DIM, DIM), dtype=jnp.float32, minval=-bound, maxval=bound)
    Wi = jax.random.uniform(k4, (DIM, DIM), dtype=jnp.float32, minval=-bound, maxval=bound)
    v = jax.random.uniform(k5, (DIM,), dtype=jnp.float32, minval=-bound, maxval=bound)
    return {"basket_emb": basket_emb, "item_emb": item_emb, "Wb": Wb, "Wi": Wi, "v": v}

def reference(basket_emb, item_emb, Wb, Wi, v):
    # eval-mode forward (no gumbel noise)
    b = basket_emb @ Wb.T            # [B, DIM]
    i = item_emb @ Wi.T              # [N, DIM]
    h = jnp.tanh(b[:, None, :] + i[None, :, :])   # [B, N, DIM] -- dominant memory cost
    scores = h @ v                   # [B, N], equivalent to Linear(dim,1,bias=False).squeeze(-1)
    _, pos_idx = jax.lax.top_k(scores, K)
    _, neg_idx = jax.lax.top_k(-scores, K)
    return (pos_idx, neg_idx)

if __name__ == "__main__":
    import jax
    _d = setup_inputs()
    print(jax.jit(kernel)(*tuple(_d.values())))

</pallas_src>

<mosaic_0001>
#map = affine_map<(d0, d1) -> (0, 0)>
module attributes {stable_mosaic.version = 14 : i64} {
  func.func @_sc_topk_body(%arg0: i32, %arg1: i32, %arg2: memref<512x1024xf32, #tpu.memory_space<hbm>>, %arg3: memref<512x16xf32, #tpu.memory_space<hbm>>, %arg4: memref<512x16xf32, #tpu.memory_space<hbm>>, %arg5: memref<512x16xi32, #tpu.memory_space<hbm>>, %arg6: memref<512x16xi32, #tpu.memory_space<hbm>>, %arg7: memref<16x1024xf32, #tpu.memory_space<vmem>>, %arg8: memref<16x16xf32, #tpu.memory_space<vmem>>, %arg9: memref<16x16xf32, #tpu.memory_space<vmem>>, %arg10: memref<1040xf32, #tpu.memory_space<vmem>>, %arg11: memref<1040xi32, #tpu.memory_space<vmem>>, %arg12: memref<1040xf32, #tpu.memory_space<vmem>>, %arg13: memref<1040xi32, #tpu.memory_space<vmem>>, %arg14: memref<16x16xi32, #tpu.memory_space<vmem>>, %arg15: memref<16x16xi32, #tpu.memory_space<vmem>>) attributes {dimension_semantics = [#tpu.dimension_semantics<core_parallel>, #tpu.dimension_semantics<subcore_parallel>], iteration_bounds = array<i64: 2, 16>, scalar_prefetch = 0 : i64, scratch_operands = 9 : i64, tpu.core_type = #tpu.core_type<sc_vector_subcore>, window_params = [{transform_indices = #map}, {transform_indices = #map}, {transform_indices = #map}, {transform_indices = #map}, {transform_indices = #map}]} {
    %mul3A = arith.constant 2 : i32
    %mul3A_0 = arith.muli %arg1, %mul3A : i32
    %add3A = arith.addi %mul3A_0, %arg0 : i32
    %mul3A_1 = arith.constant 16 : i32
    %mul3A_2 = arith.muli %add3A, %mul3A_1 : i32
    "tpu.region"() ({
      %run_scoped3A = tpu.sem_alloc : memref<!tpu.dma_semaphore, #tpu.memory_space<semaphore_mem>>
      %dma_start3A = arith.constant 0 : i32
      %dma_start3A_14 = tpu.memref_slice %arg2[%mul3A_2, %dma_start3A] : memref<512x1024xf32, #tpu.memory_space<hbm>> -> memref<16x1024xf32, #tpu.memory_space<hbm>>
      %dma_start3A_15 = arith.constant 0 : i32
      %dma_start3A_16 = tpu.memref_slice %arg2[%mul3A_2, %dma_start3A_15] : memref<512x1024xf32, #tpu.memory_space<hbm>> -> memref<16x1024xf32, #tpu.memory_space<hbm>>
      tpu.enqueue_dma source(%dma_start3A_16 : memref<16x1024xf32, #tpu.memory_space<hbm>>) target(%arg7 : memref<16x1024xf32, #tpu.memory_space<vmem>>) target_semaphore(%run_scoped3A : memref<!tpu.dma_semaphore, #tpu.memory_space<semaphore_mem>>)
      %dma_wait3A = arith.constant 0 : i32
      %dma_wait3A_17 = tpu.memref_slice %arg2[%mul3A_2, %dma_wait3A] : memref<512x1024xf32, #tpu.memory_space<hbm>> -> memref<16x1024xf32, #tpu.memory_space<hbm>>
      %dma_wait3A_18 = arith.constant 0 : i32
      %dma_wait3A_19 = tpu.memref_slice %arg2[%mul3A_2, %dma_wait3A_18] : memref<512x1024xf32, #tpu.memory_space<hbm>> -> memref<16x1024xf32, #tpu.memory_space<hbm>>
      tpu.wait_dma2 semaphore(%run_scoped3A : memref<!tpu.dma_semaphore, #tpu.memory_space<semaphore_mem>>) src(%dma_wait3A_19 : memref<16x1024xf32, #tpu.memory_space<hbm>>) dst(%arg7 : memref<16x1024xf32, #tpu.memory_space<vmem>>)
      tpu.yield
    }) : () -> ()
    "tpu.region"() ({
      %run_scoped3A = tpu.sem_alloc : memref<!tpu.dma_semaphore, #tpu.memory_space<semaphore_mem>>
      %dma_start3A = arith.constant 0 : i32
      %dma_start3A_14 = tpu.memref_slice %arg3[%mul3A_2, %dma_start3A] : memref<512x16xf32, #tpu.memory_space<hbm>> -> memref<16x16xf32, #tpu.memory_space<hbm>>
      %dma_start3A_15 = arith.constant 0 : i32
      %dma_start3A_16 = tpu.memref_slice %arg3[%mul3A_2, %dma_start3A_15] : memref<512x16xf32, #tpu.memory_space<hbm>> -> memref<16x16xf32, #tpu.memory_space<hbm>>
      tpu.enqueue_dma source(%dma_start3A_16 : memref<16x16xf32, #tpu.memory_space<hbm>>) target(%arg8 : memref<16x16xf32, #tpu.memory_space<vmem>>) target_semaphore(%run_scoped3A : memref<!tpu.dma_semaphore, #tpu.memory_space<semaphore_mem>>)
      %dma_wait3A = arith.constant 0 : i32
      %dma_wait3A_17 = tpu.memref_slice %arg3[%mul3A_2, %dma_wait3A] : memref<512x16xf32, #tpu.memory_space<hbm>> -> memref<16x16xf32, #tpu.memory_space<hbm>>
      %dma_wait3A_18 = arith.constant 0 : i32
      %dma_wait3A_19 = tpu.memref_slice %arg3[%mul3A_2, %dma_wait3A_18] : memref<512x16xf32, #tpu.memory_space<hbm>> -> memref<16x16xf32, #tpu.memory_space<hbm>>
      tpu.wait_dma2 semaphore(%run_scoped3A : memref<!tpu.dma_semaphore, #tpu.memory_space<semaphore_mem>>) src(%dma_wait3A_19 : memref<16x16xf32, #tpu.memory_space<hbm>>) dst(%arg8 : memref<16x16xf32, #tpu.memory_space<vmem>>)
      tpu.yield
    }) : () -> ()
    "tpu.region"() ({
      %run_scoped3A = tpu.sem_alloc : memref<!tpu.dma_semaphore, #tpu.memory_space<semaphore_mem>>
      %dma_start3A = arith.constant 0 : i32
      %dma_start3A_14 = tpu.memref_slice %arg4[%mul3A_2, %dma_start3A] : memref<512x16xf32, #tpu.memory_space<hbm>> -> memref<16x16xf32, #tpu.memory_space<hbm>>
      %dma_start3A_15 = arith.constant 0 : i32
      %dma_start3A_16 = tpu.memref_slice %arg4[%mul3A_2, %dma_start3A_15] : memref<512x16xf32, #tpu.memory_space<hbm>> -> memref<16x16xf32, #tpu.memory_space<hbm>>
      tpu.enqueue_dma source(%dma_start3A_16 : memref<16x16xf32, #tpu.memory_space<hbm>>) target(%arg9 : memref<16x16xf32, #tpu.memory_space<vmem>>) target_semaphore(%run_scoped3A : memref<!tpu.dma_semaphore, #tpu.memory_space<semaphore_mem>>)
      %dma_wait3A = arith.constant 0 : i32
      %dma_wait3A_17 = tpu.memref_slice %arg4[%mul3A_2, %dma_wait3A] : memref<512x16xf32, #tpu.memory_space<hbm>> -> memref<16x16xf32, #tpu.memory_space<hbm>>
      %dma_wait3A_18 = arith.constant 0 : i32
      %dma_wait3A_19 = tpu.memref_slice %arg4[%mul3A_2, %dma_wait3A_18] : memref<512x16xf32, #tpu.memory_space<hbm>> -> memref<16x16xf32, #tpu.memory_space<hbm>>
      tpu.wait_dma2 semaphore(%run_scoped3A : memref<!tpu.dma_semaphore, #tpu.memory_space<semaphore_mem>>) src(%dma_wait3A_19 : memref<16x16xf32, #tpu.memory_space<hbm>>) dst(%arg9 : memref<16x16xf32, #tpu.memory_space<vmem>>)
      tpu.yield
    }) : () -> ()
    %iota3A = tpu.iota {dimensions = array<i32: 0>} : vector<16xi32>
    %eq3A = arith.constant 15 : i32
    %eq3A_3 = vector.broadcast %eq3A : i32 to vector<16xi32>
    %eq3A_4 = arith.cmpi eq, %iota3A, %eq3A_3 : vector<16xi32>
    %broadcast_in_dim3A = arith.constant 0xFF800000 : f32
    %broadcast_in_dim3A_5 = vector.broadcast %broadcast_in_dim3A : f32 to vector<16xf32>
    %broadcast_in_dim3A_6 = arith.constant 0x7F800000 : f32
    %broadcast_in_dim3A_7 = vector.broadcast %broadcast_in_dim3A_6 : f32 to vector<16xf32>
    %scan3A = arith.constant 0 : i32
    %scan3A_8 = arith.constant 0 : i32
    %scan3A_9 = arith.constant 16 : i32
    %scan3A_10 = arith.addi %scan3A_8, %scan3A_9 : i32
    %scan3A_11 = arith.constant 1 : i32
    %scan3A_12 = scf.for %scan3A_14 = %scan3A_8 to %scan3A_10 step %scan3A_11 iter_args(%scan3A_15 = %scan3A) -> (i32)  : i32 {
      %get3A = arith.index_cast %scan3A_14 : i32 to index
      %get3A_16 = arith.constant 0 : index
      %get3A_17 = tpu.vector_load %arg8[%get3A, %get3A_16] {strides = array<i32>} : memref<16x16xf32, #tpu.memory_space<vmem>>, vector<16xf32>,
      %sort3A = arith.constant dense<true> : vector<16xi1>
      %sort3A_18, %sort3A_19, %sort3A_20 = tpu.sort %get3A_17, %get3A_17 masked %sort3A : (vector<16xf32>, vector<16xf32>, vector<16xi1>) -> (vector<16xi1>, vector<16xf32>, vector<16xf32>)
      %broadcast_in_dim3A_21 = arith.constant 0 : i32
      %broadcast_in_dim3A_22 = vector.broadcast %broadcast_in_dim3A_21 : i32 to vector<16xi32>
      %lt3A = arith.constant 0 : i32
      %lt3A_23 = vector.broadcast %lt3A : i32 to vector<16xi32>
      %lt3A_24 = arith.cmpi slt, %broadcast_in_dim3A_22, %lt3A_23 : vector<16xi32>
      %add3A_25 = arith.constant 16 : i32
      %add3A_26 = vector.broadcast %add3A_25 : i32 to vector<16xi32>
      %add3A_27 = arith.addi %broadcast_in_dim3A_22, %add3A_26 : vector<16xi32>
      %select_n3A = arith.select %lt3A_24, %add3A_27, %broadcast_in_dim3A_22 : vector<16xi1>, vector<16xi32>
      %broadcast_in_dim3A_28 = vector.shape_cast %select_n3A : vector<16xi32> to vector<16x1xi32>
      %gather3A = vector.shape_cast %broadcast_in_dim3A_28 : vector<16x1xi32> to vector<16xi32>
      %gather3A_29 = tpu.dynamic_gather %sort3A_19[%gather3A] in [0] : vector<16xf32>, vector<16xi32> -> vector<16xf32>
      %get3A_30 = arith.index_cast %scan3A_14 : i32 to index
      %get3A_31 = arith.constant 0 : index
      %get3A_32 = tpu.vector_load %arg9[%get3A_30, %get3A_31] {strides = array<i32>} : memref<16x16xf32, #tpu.memory_space<vmem>>, vector<16xf32>,
      %sort3A_33 = arith.constant dense<true> : vector<16xi1>
      %sort3A_34, %sort3A_35, %sort3A_36 = tpu.sort %get3A_32, %get3A_32 masked %sort3A_33 : (vector<16xf32>, vector<16xf32>, vector<16xi1>) -> (vector<16xi1>, vector<16xf32>, vector<16xf32>)
      %broadcast_in_dim3A_37 = arith.constant 15 : i32
      %broadcast_in_dim3A_38 = vector.broadcast %broadcast_in_dim3A_37 : i32 to vector<16xi32>
      %lt3A_39 = arith.constant 0 : i32
      %lt3A_40 = vector.broadcast %lt3A_39 : i32 to vector<16xi32>
      %lt3A_41 = arith.cmpi slt, %broadcast_in_dim3A_38, %lt3A_40 : vector<16xi32>
      %add3A_42 = arith.constant 16 : i32
      %add3A_43 = vector.broadcast %add3A_42 : i32 to vector<16xi32>
      %add3A_44 = arith.addi %broadcast_in_dim3A_38, %add3A_43 : vector<16xi32>
      %select_n3A_45 = arith.select %lt3A_41, %add3A_44, %broadcast_in_dim3A_38 : vector<16xi1>, vector<16xi32>
      %broadcast_in_dim3A_46 = vector.shape_cast %select_n3A_45 : vector<16xi32> to vector<16x1xi32>
      %gather3A_47 = vector.shape_cast %broadcast_in_dim3A_46 : vector<16x1xi32> to vector<16xi32>
      %gather3A_48 = tpu.dynamic_gather %sort3A_35[%gather3A_47] in [0] : vector<16xf32>, vector<16xi32> -> vector<16xf32>
      %scan3A_49 = arith.constant 0 : i32
      %scan3A_50 = arith.constant 0 : i32
      %scan3A_51 = arith.constant 0 : i32
      %scan3A_52 = arith.constant 64 : i32
      %scan3A_53 = arith.addi %scan3A_51, %scan3A_52 : i32
      %scan3A_54 = arith.constant 1 : i32
      %scan3A_55:2 = scf.for %scan3A_168 = %scan3A_51 to %scan3A_53 step %scan3A_54 iter_args(%scan3A_169 = %scan3A_49, %scan3A_170 = %scan3A_50) -> (i32, i32)  : i32 {
        %mul3A_171 = arith.constant 16 : i32
        %mul3A_172 = arith.muli %scan3A_168, %mul3A_171 : i32
        %get3A_173 = arith.index_cast %scan3A_14 : i32 to index
        %get3A_174 = arith.index_cast %mul3A_172 : i32 to index
        %get3A_175 = tpu.vector_load %arg7[%get3A_173, %get3A_174] {strides = array<i32>} : memref<16x1024xf32, #tpu.memory_space<vmem>>, vector<16xf32>,
        %ge3A = arith.constant 40 : i32
        %ge3A_176 = arith.cmpi sge, %scan3A_168, %ge3A : i32
        %and3A_177 = vector.broadcast %ge3A_176 : i1 to vector<16xi1>
        %and3A_178 = arith.andi %eq3A_4, %and3A_177 : vector<16xi1>
        %not3A = arith.constant dense<true> : vector<16xi1>
        %not3A_179 = arith.xori %and3A_178, %not3A : vector<16xi1>
        %mul3A_180 = arith.constant 64 : i32
        %mul3A_181 = vector.broadcast %mul3A_180 : i32 to vector<16xi32>
        %mul3A_182 = arith.muli %iota3A, %mul3A_181 : vector<16xi32>
        %add3A_183 = vector.broadcast %scan3A_168 : i32 to vector<16xi32>
        %add3A_184 = arith.addi %mul3A_182, %add3A_183 : vector<16xi32>
        %ge3A_185 = arith.cmpf oge, %get3A_175, %gather3A_29 : vector<16xf32>
        %and3A_186 = arith.andi %ge3A_185, %not3A_179 : vector<16xi1>
        %le3A = arith.cmpf ole, %get3A_175, %gather3A_48 : vector<16xf32>
        %and3A_187 = arith.andi %le3A, %not3A_179 : vector<16xi1>
        %swap3A_188 = arith.index_cast %scan3A_169 : i32 to index
        %swap3A_189 = tpu.vector_load %arg10[%swap3A_188] masked %and3A_186 {strides = array<i32>} : memref<1040xf32, #tpu.memory_space<vmem>>, vector<16xf32>, vector<16xi1>
        tpu.vector_store %arg10[%swap3A_188], %get3A_175 masked %and3A_186 {strides = array<i32>} : memref<1040xf32, #tpu.memory_space<vmem>>, vector<16xf32>, vector<16xi1>
        %swap3A_190 = arith.index_cast %scan3A_169 : i32 to index
        %swap3A_191 = tpu.vector_load %arg11[%swap3A_190] masked %and3A_186 {strides = array<i32>} : memref<1040xi32, #tpu.memory_space<vmem>>, vector<16xi32>, vector<16xi1>
        tpu.vector_store %arg11[%swap3A_190], %add3A_184 masked %and3A_186 {strides = array<i32>} : memref<1040xi32, #tpu.memory_space<vmem>>, vector<16xi32>, vector<16xi1>
        %swap3A_192 = arith.index_cast %scan3A_170 : i32 to index
        %swap3A_193 = tpu.vector_load %arg12[%swap3A_192] masked %and3A_187 {strides = array<i32>} : memref<1040xf32, #tpu.memory_space<vmem>>, vector<16xf32>, vector<16xi1>
        tpu.vector_store %arg12[%swap3A_192], %get3A_175 masked %and3A_187 {strides = array<i32>} : memref<1040xf32, #tpu.memory_space<vmem>>, vector<16xf32>, vector<16xi1>
        %swap3A_194 = arith.index_cast %scan3A_170 : i32 to index
        %swap3A_195 = tpu.vector_load %arg13[%swap3A_194] masked %and3A_187 {strides = array<i32>} : memref<1040xi32, #tpu.memory_space<vmem>>, vector<16xi32>, vector<16xi1>
        tpu.vector_store %arg13[%swap3A_194], %add3A_184 masked %and3A_187 {strides = array<i32>} : memref<1040xi32, #tpu.memory_space<vmem>>, vector<16xi32>, vector<16xi1>
        %all_reduce_population_count3A = tpu.all_reduce %and3A_186 {dim = 0 : i64, kind = #tpu.reduction_kind<sum>} : vector<16xi1> -> vector<16xi32>
        %slice3A = vector.extract_strided_slice %all_reduce_population_count3A {offsets = [0], sizes = [1], strides = [1]} : vector<16xi32> to vector<1xi32>
        %squeeze3A = vector.extract %slice3A[0] : i32 from vector<1xi32>
        %all_reduce_population_count3A_196 = tpu.all_reduce %and3A_187 {dim = 0 : i64, kind = #tpu.reduction_kind<sum>} : vector<16xi1> -> vector<16xi32>
        %slice3A_197 = vector.extract_strided_slice %all_reduce_population_count3A_196 {offsets = [0], sizes = [1], strides = [1]} : vector<16xi32> to vector<1xi32>
        %squeeze3A_198 = vector.extract %slice3A_197[0] : i32 from vector<1xi32>
        %add3A_199 = arith.addi %scan3A_169, %squeeze3A : i32
        %add3A_200 = arith.addi %scan3A_170, %squeeze3A_198 : i32
        scf.yield %add3A_199, %add3A_200 : i32, i32
      }
      %scan3A_56 = arith.constant 64 : i32
      %swap3A = arith.index_cast %scan3A_55#0 : i32 to index
      %swap3A_57 = tpu.vector_load %arg10[%swap3A] {strides = array<i32>} : memref<1040xf32, #tpu.memory_space<vmem>>, vector<16xf32>,
      tpu.vector_store %arg10[%swap3A], %broadcast_in_dim3A_5 {strides = array<i32>} : memref<1040xf32, #tpu.memory_space<vmem>>, vector<16xf32>,
      %broadcast_in_dim3A_58 = arith.constant 0 : i32
      %broadcast_in_dim3A_59 = vector.broadcast %broadcast_in_dim3A_58 : i32 to vector<16xi32>
      %swap3A_60 = arith.index_cast %scan3A_55#0 : i32 to index
      %swap3A_61 = tpu.vector_load %arg11[%swap3A_60] {strides = array<i32>} : memref<1040xi32, #tpu.memory_space<vmem>>, vector<16xi32>,
      tpu.vector_store %arg11[%swap3A_60], %broadcast_in_dim3A_59 {strides = array<i32>} : memref<1040xi32, #tpu.memory_space<vmem>>, vector<16xi32>,
      %swap3A_62 = arith.index_cast %scan3A_55#1 : i32 to index
      %swap3A_63 = tpu.vector_load %arg12[%swap3A_62] {strides = array<i32>} : memref<1040xf32, #tpu.memory_space<vmem>>, vector<16xf32>,
      tpu.vector_store %arg12[%swap3A_62], %broadcast_in_dim3A_7 {strides = array<i32>} : memref<1040xf32, #tpu.memory_space<vmem>>, vector<16xf32>,
      %broadcast_in_dim3A_64 = arith.constant 0 : i32
      %broadcast_in_dim3A_65 = vector.broadcast %broadcast_in_dim3A_64 : i32 to vector<16xi32>
      %swap3A_66 = arith.index_cast %scan3A_55#1 : i32 to index
      %swap3A_67 = tpu.vector_load %arg13[%swap3A_66] {strides = array<i32>} : memref<1040xi32, #tpu.memory_space<vmem>>, vector<16xi32>,
      tpu.vector_store %arg13[%swap3A_66], %broadcast_in_dim3A_65 {strides = array<i32>} : memref<1040xi32, #tpu.memory_space<vmem>>, vector<16xi32>,
      %get3A_68 = arith.constant 0 : index
      %get3A_69 = tpu.vector_load %arg10[%get3A_68] {strides = array<i32>} : memref<1040xf32, #tpu.memory_space<vmem>>, vector<16xf32>,
      %get3A_70 = arith.constant 0 : index
      %get3A_71 = tpu.vector_load %arg11[%get3A_70] {strides = array<i32>} : memref<1040xi32, #tpu.memory_space<vmem>>, vector<16xi32>,
      %masked_sort3A = arith.constant dense<true> : vector<16xi1>
      %masked_sort3A_72, %masked_sort3A_73, %masked_sort3A_74 = tpu.sort %get3A_69, %get3A_71 masked %masked_sort3A : (vector<16xf32>, vector<16xi32>, vector<16xi1>) -> (vector<16xi1>, vector<16xf32>, vector<16xi32>)
      %add3A_75 = arith.constant 16 : i32
      %add3A_76 = arith.addi %scan3A_55#0, %add3A_75 : i32
      %sub3A = arith.constant 1 : i32
      %sub3A_77 = arith.subi %add3A_76, %sub3A : i32
      %jit3A = arith.constant 16 : i32
      %div3A = arith.divsi %sub3A_77, %jit3A : i32
      %sign3A = arith.constant 0 : i32
      %sign3A_78 = arith.cmpi sgt, %sub3A_77, %sign3A : i32
      %sign3A_79 = arith.extui %sign3A_78 : i1 to i32
      %sign3A_80 = arith.constant 0 : i32
      %sign3A_81 = arith.cmpi slt, %sub3A_77, %sign3A_80 : i32
      %sign3A_82 = arith.extui %sign3A_81 : i1 to i32
      %sign3A_83 = arith.subi %sign3A_79, %sign3A_82 : i32
      %sign3A_84 = arith.constant 0 : i32
      %sign3A_85 = arith.cmpi sgt, %jit3A, %sign3A_84 : i32
      %sign3A_86 = arith.extui %sign3A_85 : i1 to i32
      %sign3A_87 = arith.constant 0 : i32
      %sign3A_88 = arith.cmpi slt, %jit3A, %sign3A_87 : i32
      %sign3A_89 = arith.extui %sign3A_88 : i1 to i32
      %sign3A_90 = arith.subi %sign3A_86, %sign3A_89 : i32
      %ne3A = arith.cmpi ne, %sign3A_83, %sign3A_90 : i32
      %rem3A = arith.remsi %sub3A_77, %jit3A : i32
      %ne3A_91 = arith.constant 0 : i32
      %ne3A_92 = arith.cmpi ne, %rem3A, %ne3A_91 : i32
      %and3A = arith.andi %ne3A, %ne3A_92 : i1
      %sub3A_93 = arith.constant 1 : i32
      %sub3A_94 = arith.subi %div3A, %sub3A_93 : i32
      %select_n3A_95 = arith.select %and3A, %sub3A_94, %div3A : i32
      %while3A = arith.constant 1 : i32
      %while3A_96 = arith.subi %select_n3A_95, %while3A : i32
      %while3A_97 = arith.addi %while3A, %while3A_96 : i32
      %while3A_98 = arith.constant 1 : i32
      %while3A_99 = arith.divsi %while3A_96, %while3A_98 : i32
      %while3A_100 = arith.muli %while3A_99, %while3A_98 : i32
      %while3A_101 = arith.addi %while3A, %while3A_100 : i32
      %while3A_102 = arith.constant 1 : i32
      %while3A_103:2 = scf.for %while3A_168 = %while3A to %while3A_101 step %while3A_102 iter_args(%while3A_169 = %masked_sort3A_73, %while3A_170 = %masked_sort3A_74) -> (vector<16xf32>, vector<16xi32>)  : i32 {
        %mul3A_171 = arith.constant 16 : i32
        %mul3A_172 = arith.muli %while3A_168, %mul3A_171 : i32
        %get3A_173 = arith.index_cast %mul3A_172 : i32 to index
        %get3A_174 = tpu.vector_load %arg10[%get3A_173] {strides = array<i32>} : memref<1040xf32, #tpu.memory_space<vmem>>, vector<16xf32>,
        %mul3A_175 = arith.constant 16 : i32
        %mul3A_176 = arith.muli %while3A_168, %mul3A_175 : i32
        %get3A_177 = arith.index_cast %mul3A_176 : i32 to index
        %get3A_178 = tpu.vector_load %arg11[%get3A_177] {strides = array<i32>} : memref<1040xi32, #tpu.memory_space<vmem>>, vector<16xi32>,
        %masked_sort3A_179 = arith.constant dense<true> : vector<16xi1>
        %masked_sort3A_180, %masked_sort3A_181, %masked_sort3A_182 = tpu.sort %get3A_174, %get3A_178 masked %masked_sort3A_179 {descending = true} : (vector<16xf32>, vector<16xi32>, vector<16xi1>) -> (vector<16xi1>, vector<16xf32>, vector<16xi32>)
        %ge3A = arith.cmpf oge, %while3A_169, %masked_sort3A_181 : vector<16xf32>
        %select_n3A_183 = arith.select %ge3A, %while3A_169, %masked_sort3A_181 : vector<16xi1>, vector<16xf32>
        %select_n3A_184 = arith.select %ge3A, %while3A_170, %masked_sort3A_182 : vector<16xi1>, vector<16xi32>
        %masked_sort3A_185 = arith.constant dense<true> : vector<16xi1>
        %masked_sort3A_186, %masked_sort3A_187, %masked_sort3A_188 = tpu.sort %select_n3A_183, %select_n3A_184 masked %masked_sort3A_185 : (vector<16xf32>, vector<16xi32>, vector<16xi1>) -> (vector<16xi1>, vector<16xf32>, vector<16xi32>)
        scf.yield %masked_sort3A_187, %masked_sort3A_188 : vector<16xf32>, vector<16xi32>
      }
      %while3A_104 = arith.constant 1 : i32
      %while3A_105:2 = scf.for %while3A_168 = %while3A_101 to %while3A_97 step %while3A_104 iter_args(%while3A_169 = %while3A_103#0, %while3A_170 = %while3A_103#1) -> (vector<16xf32>, vector<16xi32>)  : i32 {
        %mul3A_171 = arith.constant 16 : i32
        %mul3A_172 = arith.muli %while3A_168, %mul3A_171 : i32
        %get3A_173 = arith.index_cast %mul3A_172 : i32 to index
        %get3A_174 = tpu.vector_load %arg10[%get3A_173] {strides = array<i32>} : memref<1040xf32, #tpu.memory_space<vmem>>, vector<16xf32>,
        %mul3A_175 = arith.constant 16 : i32
        %mul3A_176 = arith.muli %while3A_168, %mul3A_175 : i32
        %get3A_177 = arith.index_cast %mul3A_176 : i32 to index
        %get3A_178 = tpu.vector_load %arg11[%get3A_177] {strides = array<i32>} : memref<1040xi32, #tpu.memory_space<vmem>>, vector<16xi32>,
        %masked_sort3A_179 = arith.constant dense<true> : vector<16xi1>
        %masked_sort3A_180, %masked_sort3A_181, %masked_sort3A_182 = tpu.sort %get3A_174, %get3A_178 masked %masked_sort3A_179 {descending = true} : (vector<16xf32>, vector<16xi32>, vector<16xi1>) -> (vector<16xi1>, vector<16xf32>, vector<16xi32>)
        %ge3A = arith.cmpf oge, %while3A_169, %masked_sort3A_181 : vector<16xf32>
        %select_n3A_183 = arith.select %ge3A, %while3A_169, %masked_sort3A_181 : vector<16xi1>, vector<16xf32>
        %select_n3A_184 = arith.select %ge3A, %while3A_170, %masked_sort3A_182 : vector<16xi1>, vector<16xi32>
        %masked_sort3A_185 = arith.constant dense<true> : vector<16xi1>
        %masked_sort3A_186, %masked_sort3A_187, %masked_sort3A_188 = tpu.sort %select_n3A_183, %select_n3A_184 masked %masked_sort3A_185 : (vector<16xf32>, vector<16xi32>, vector<16xi1>) -> (vector<16xi1>, vector<16xf32>, vector<16xi32>)
        scf.yield %masked_sort3A_187, %masked_sort3A_188 : vector<16xf32>, vector<16xi32>
      }
      %masked_sort3A_106 = arith.constant dense<true> : vector<16xi1>
      %masked_sort3A_107, %masked_sort3A_108, %masked_sort3A_109 = tpu.sort %while3A_105#0, %while3A_105#1 masked %masked_sort3A_106 {descending = true} : (vector<16xf32>, vector<16xi32>, vector<16xi1>) -> (vector<16xi1>, vector<16xf32>, vector<16xi32>)
      %swap3A_110 = arith.index_cast %scan3A_14 : i32 to index
      %swap3A_111 = arith.constant 0 : index
      %swap3A_112 = tpu.vector_load %arg14[%swap3A_110, %swap3A_111] {strides = array<i32>} : memref<16x16xi32, #tpu.memory_space<vmem>>, vector<16xi32>,
      tpu.vector_store %arg14[%swap3A_110, %swap3A_111], %masked_sort3A_109 {strides = array<i32>} : memref<16x16xi32, #tpu.memory_space<vmem>>, vector<16xi32>,
      %get3A_113 = arith.constant 0 : index
      %get3A_114 = tpu.vector_load %arg12[%get3A_113] {strides = array<i32>} : memref<1040xf32, #tpu.memory_space<vmem>>, vector<16xf32>,
      %get3A_115 = arith.constant 0 : index
      %get3A_116 = tpu.vector_load %arg13[%get3A_115] {strides = array<i32>} : memref<1040xi32, #tpu.memory_space<vmem>>, vector<16xi32>,
      %masked_sort3A_117 = arith.constant dense<true> : vector<16xi1>
      %masked_sort3A_118, %masked_sort3A_119, %masked_sort3A_120 = tpu.sort %get3A_114, %get3A_116 masked %masked_sort3A_117 {descending = true} : (vector<16xf32>, vector<16xi32>, vector<16xi1>) -> (vector<16xi1>, vector<16xf32>, vector<16xi32>)
      %add3A_121 = arith.constant 16 : i32
      %add3A_122 = arith.addi %scan3A_55#1, %add3A_121 : i32
      %sub3A_123 = arith.constant 1 : i32
      %sub3A_124 = arith.subi %add3A_122, %sub3A_123 : i32
      %jit3A_125 = arith.constant 16 : i32
      %div3A_126 = arith.divsi %sub3A_124, %jit3A_125 : i32
      %sign3A_127 = arith.constant 0 : i32
      %sign3A_128 = arith.cmpi sgt, %sub3A_124, %sign3A_127 : i32
      %sign3A_129 = arith.extui %sign3A_128 : i1 to i32
      %sign3A_130 = arith.constant 0 : i32
      %sign3A_131 = arith.cmpi slt, %sub3A_124, %sign3A_130 : i32
      %sign3A_132 = arith.extui %sign3A_131 : i1 to i32
      %sign3A_133 = arith.subi %sign3A_129, %sign3A_132 : i32
      %sign3A_134 = arith.constant 0 : i32
      %sign3A_135 = arith.cmpi sgt, %jit3A_125, %sign3A_134 : i32
      %sign3A_136 = arith.extui %sign3A_135 : i1 to i32
      %sign3A_137 = arith.constant 0 : i32
      %sign3A_138 = arith.cmpi slt, %jit3A_125, %sign3A_137 : i32
      %sign3A_139 = arith.extui %sign3A_138 : i1 to i32
      %sign3A_140 = arith.subi %sign3A_136, %sign3A_139 : i32
      %ne3A_141 = arith.cmpi ne, %sign3A_133, %sign3A_140 : i32
      %rem3A_142 = arith.remsi %sub3A_124, %jit3A_125 : i32
      %ne3A_143 = arith.constant 0 : i32
      %ne3A_144 = arith.cmpi ne, %rem3A_142, %ne3A_143 : i32
      %and3A_145 = arith.andi %ne3A_141, %ne3A_144 : i1
      %sub3A_146 = arith.constant 1 : i32
      %sub3A_147 = arith.subi %div3A_126, %sub3A_146 : i32
      %select_n3A_148 = arith.select %and3A_145, %sub3A_147, %div3A_126 : i32
      %while3A_149 = arith.constant 1 : i32
      %while3A_150 = arith.subi %select_n3A_148, %while3A_149 : i32
      %while3A_151 = arith.addi %while3A_149, %while3A_150 : i32
      %while3A_152 = arith.constant 1 : i32
      %while3A_153 = arith.divsi %while3A_150, %while3A_152 : i32
      %while3A_154 = arith.muli %while3A_153, %while3A_152 : i32
      %while3A_155 = arith.addi %while3A_149, %while3A_154 : i32
      %while3A_156 = arith.constant 1 : i32
      %while3A_157:2 = scf.for %while3A_168 = %while3A_149 to %while3A_155 step %while3A_156 iter_args(%while3A_169 = %masked_sort3A_119, %while3A_170 = %masked_sort3A_120) -> (vector<16xf32>, vector<16xi32>)  : i32 {
        %mul3A_171 = arith.constant 16 : i32
        %mul3A_172 = arith.muli %while3A_168, %mul3A_171 : i32
        %get3A_173 = arith.index_cast %mul3A_172 : i32 to index
        %get3A_174 = tpu.vector_load %arg12[%get3A_173] {strides = array<i32>} : memref<1040xf32, #tpu.memory_space<vmem>>, vector<16xf32>,
        %mul3A_175 = arith.constant 16 : i32
        %mul3A_176 = arith.muli %while3A_168, %mul3A_175 : i32
        %get3A_177 = arith.index_cast %mul3A_176 : i32 to index
        %get3A_178 = tpu.vector_load %arg13[%get3A_177] {strides = array<i32>} : memref<1040xi32, #tpu.memory_space<vmem>>, vector<16xi32>,
        %masked_sort3A_179 = arith.constant dense<true> : vector<16xi1>
        %masked_sort3A_180, %masked_sort3A_181, %masked_sort3A_182 = tpu.sort %get3A_174, %get3A_178 masked %masked_sort3A_179 : (vector<16xf32>, vector<16xi32>, vector<16xi1>) -> (vector<16xi1>, vector<16xf32>, vector<16xi32>)
        %le3A = arith.cmpf ole, %while3A_169, %masked_sort3A_181 : vector<16xf32>
        %select_n3A_183 = arith.select %le3A, %while3A_169, %masked_sort3A_181 : vector<16xi1>, vector<16xf32>
        %select_n3A_184 = arith.select %le3A, %while3A_170, %masked_sort3A_182 : vector<16xi1>, vector<16xi32>
        %masked_sort3A_185 = arith.constant dense<true> : vector<16xi1>
        %masked_sort3A_186, %masked_sort3A_187, %masked_sort3A_188 = tpu.sort %select_n3A_183, %select_n3A_184 masked %masked_sort3A_185 {descending = true} : (vector<16xf32>, vector<16xi32>, vector<16xi1>) -> (vector<16xi1>, vector<16xf32>, vector<16xi32>)
        scf.yield %masked_sort3A_187, %masked_sort3A_188 : vector<16xf32>, vector<16xi32>
      }
      %while3A_158 = arith.constant 1 : i32
      %while3A_159:2 = scf.for %while3A_168 = %while3A_155 to %while3A_151 step %while3A_158 iter_args(%while3A_169 = %while3A_157#0, %while3A_170 = %while3A_157#1) -> (vector<16xf32>, vector<16xi32>)  : i32 {
        %mul3A_171 = arith.constant 16 : i32
        %mul3A_172 = arith.muli %while3A_168, %mul3A_171 : i32
        %get3A_173 = arith.index_cast %mul3A_172 : i32 to index
        %get3A_174 = tpu.vector_load %arg12[%get3A_173] {strides = array<i32>} : memref<1040xf32, #tpu.memory_space<vmem>>, vector<16xf32>,
        %mul3A_175 = arith.constant 16 : i32
        %mul3A_176 = arith.muli %while3A_168, %mul3A_175 : i32
        %get3A_177 = arith.index_cast %mul3A_176 : i32 to index
        %get3A_178 = tpu.vector_load %arg13[%get3A_177] {strides = array<i32>} : memref<1040xi32, #tpu.memory_space<vmem>>, vector<16xi32>,
        %masked_sort3A_179 = arith.constant dense<true> : vector<16xi1>
        %masked_sort3A_180, %masked_sort3A_181, %masked_sort3A_182 = tpu.sort %get3A_174, %get3A_178 masked %masked_sort3A_179 : (vector<16xf32>, vector<16xi32>, vector<16xi1>) -> (vector<16xi1>, vector<16xf32>, vector<16xi32>)
        %le3A = arith.cmpf ole, %while3A_169, %masked_sort3A_181 : vector<16xf32>
        %select_n3A_183 = arith.select %le3A, %while3A_169, %masked_sort3A_181 : vector<16xi1>, vector<16xf32>
        %select_n3A_184 = arith.select %le3A, %while3A_170, %masked_sort3A_182 : vector<16xi1>, vector<16xi32>
        %masked_sort3A_185 = arith.constant dense<true> : vector<16xi1>
        %masked_sort3A_186, %masked_sort3A_187, %masked_sort3A_188 = tpu.sort %select_n3A_183, %select_n3A_184 masked %masked_sort3A_185 {descending = true} : (vector<16xf32>, vector<16xi32>, vector<16xi1>) -> (vector<16xi1>, vector<16xf32>, vector<16xi32>)
        scf.yield %masked_sort3A_187, %masked_sort3A_188 : vector<16xf32>, vector<16xi32>
      }
      %masked_sort3A_160 = arith.constant dense<true> : vector<16xi1>
      %masked_sort3A_161, %masked_sort3A_162, %masked_sort3A_163 = tpu.sort %while3A_159#0, %while3A_159#1 masked %masked_sort3A_160 : (vector<16xf32>, vector<16xi32>, vector<16xi1>) -> (vector<16xi1>, vector<16xf32>, vector<16xi32>)
      %swap3A_164 = arith.index_cast %scan3A_14 : i32 to index
      %swap3A_165 = arith.constant 0 : index
      %swap3A_166 = tpu.vector_load %arg15[%swap3A_164, %swap3A_165] {strides = array<i32>} : memref<16x16xi32, #tpu.memory_space<vmem>>, vector<16xi32>,
      tpu.vector_store %arg15[%swap3A_164, %swap3A_165], %masked_sort3A_163 {strides = array<i32>} : memref<16x16xi32, #tpu.memory_space<vmem>>, vector<16xi32>,
      %scan3A_167 = arith.constant 0 : i32
      scf.yield %scan3A_167 : i32
    }
    %scan3A_13 = arith.constant 16 : i32
    "tpu.region"() ({
      %run_scoped3A = tpu.sem_alloc : memref<!tpu.dma_semaphore, #tpu.memory_space<semaphore_mem>>
      %dma_start3A = arith.constant 0 : i32
      %dma_start3A_14 = tpu.memref_slice %arg5[%mul3A_2, %dma_start3A] : memref<512x16xi32, #tpu.memory_space<hbm>> -> memref<16x16xi32, #tpu.memory_space<hbm>>
      %dma_start3A_15 = arith.constant 0 : i32
      %dma_start3A_16 = tpu.memref_slice %arg5[%mul3A_2, %dma_start3A_15] : memref<512x16xi32, #tpu.memory_space<hbm>> -> memref<16x16xi32, #tpu.memory_space<hbm>>
      tpu.enqueue_dma source(%arg14 : memref<16x16xi32, #tpu.memory_space<vmem>>) target(%dma_start3A_16 : memref<16x16xi32, #tpu.memory_space<hbm>>) target_semaphore(%run_scoped3A : memref<!tpu.dma_semaphore, #tpu.memory_space<semaphore_mem>>)
      %dma_wait3A = arith.constant 0 : i32
      %dma_wait3A_17 = tpu.memref_slice %arg5[%mul3A_2, %dma_wait3A] : memref<512x16xi32, #tpu.memory_space<hbm>> -> memref<16x16xi32, #tpu.memory_space<hbm>>
      %dma_wait3A_18 = arith.constant 0 : i32
      %dma_wait3A_19 = tpu.memref_slice %arg5[%mul3A_2, %dma_wait3A_18] : memref<512x16xi32, #tpu.memory_space<hbm>> -> memref<16x16xi32, #tpu.memory_space<hbm>>
      tpu.wait_dma2 semaphore(%run_scoped3A : memref<!tpu.dma_semaphore, #tpu.memory_space<semaphore_mem>>) src(%arg14 : memref<16x16xi32, #tpu.memory_space<vmem>>) dst(%dma_wait3A_19 : memref<16x16xi32, #tpu.memory_space<hbm>>)
      tpu.yield
    }) : () -> ()
    "tpu.region"() ({
      %run_scoped3A = tpu.sem_alloc : memref<!tpu.dma_semaphore, #tpu.memory_space<semaphore_mem>>
      %dma_start3A = arith.constant 0 : i32
      %dma_start3A_14 = tpu.memref_slice %arg6[%mul3A_2, %dma_start3A] : memref<512x16xi32, #tpu.memory_space<hbm>> -> memref<16x16xi32, #tpu.memory_space<hbm>>
      %dma_start3A_15 = arith.constant 0 : i32
      %dma_start3A_16 = tpu.memref_slice %arg6[%mul3A_2, %dma_start3A_15] : memref<512x16xi32, #tpu.memory_space<hbm>> -> memref<16x16xi32, #tpu.memory_space<hbm>>
      tpu.enqueue_dma source(%arg15 : memref<16x16xi32, #tpu.memory_space<vmem>>) target(%dma_start3A_16 : memref<16x16xi32, #tpu.memory_space<hbm>>) target_semaphore(%run_scoped3A : memref<!tpu.dma_semaphore, #tpu.memory_space<semaphore_mem>>)
      %dma_wait3A = arith.constant 0 : i32
      %dma_wait3A_17 = tpu.memref_slice %arg6[%mul3A_2, %dma_wait3A] : memref<512x16xi32, #tpu.memory_space<hbm>> -> memref<16x16xi32, #tpu.memory_space<hbm>>
      %dma_wait3A_18 = arith.constant 0 : i32
      %dma_wait3A_19 = tpu.memref_slice %arg6[%mul3A_2, %dma_wait3A_18] : memref<512x16xi32, #tpu.memory_space<hbm>> -> memref<16x16xi32, #tpu.memory_space<hbm>>
      tpu.wait_dma2 semaphore(%run_scoped3A : memref<!tpu.dma_semaphore, #tpu.memory_space<semaphore_mem>>) src(%arg15 : memref<16x16xi32, #tpu.memory_space<vmem>>) dst(%dma_wait3A_19 : memref<16x16xi32, #tpu.memory_space<hbm>>)
      tpu.yield
    }) : () -> ()
    return
  }
}

#map = affine_map<(d0, d1) -> (0, 0)>
module attributes {stable_mosaic.version = 14 : i64} {
  func.func @_sc_topk_body(%arg0: i32, %arg1: i32, %arg2: memref<512x1024xf32, #tpu.memory_space<hbm>>, %arg3: memref<512x16xf32, #tpu.memory_space<hbm>>, %arg4: memref<512x16xf32, #tpu.memory_space<hbm>>, %arg5: memref<512x16xi32, #tpu.memory_space<hbm>>, %arg6: memref<512x16xi32, #tpu.memory_space<hbm>>, %arg7: memref<16x1024xf32, #tpu.memory_space<vmem>>, %arg8: memref<16x16xf32, #tpu.memory_space<vmem>>, %arg9: memref<16x16xf32, #tpu.memory_space<vmem>>, %arg10: memref<1040xf32, #tpu.memory_space<vmem>>, %arg11: memref<1040xi32, #tpu.memory_space<vmem>>, %arg12: memref<1040xf32, #tpu.memory_space<vmem>>, %arg13: memref<1040xi32, #tpu.memory_space<vmem>>, %arg14: memref<16x16xi32, #tpu.memory_space<vmem>>, %arg15: memref<16x16xi32, #tpu.memory_space<vmem>>) attributes {dimension_semantics = [#tpu.dimension_semantics<core_parallel>, #tpu.dimension_semantics<subcore_parallel>], iteration_bounds = array<i64: 2, 16>, scalar_prefetch = 0 : i64, scratch_operands = 9 : i64, tpu.core_type = #tpu.core_type<sc_vector_subcore>, window_params = [{transform_indices = #map}, {transform_indices = #map}, {transform_indices = #map}, {transform_indices = #map}, {transform_indices = #map}]} {
    %mul3A = arith.constant 2 : i32
    %mul3A_0 = arith.muli %arg1, %mul3A : i32
    %add3A = arith.addi %mul3A_0, %arg0 : i32
    %mul3A_1 = arith.constant 16 : i32
    %mul3A_2 = arith.muli %add3A, %mul3A_1 : i32
    "tpu.region"() ({
      %run_scoped3A = tpu.sem_alloc : memref<!tpu.dma_semaphore, #tpu.memory_space<semaphore_mem>>
      %dma_start3A = arith.constant 0 : i32
      %dma_start3A_14 = tpu.memref_slice %arg2[%mul3A_2, %dma_start3A] : memref<512x1024xf32, #tpu.memory_space<hbm>> -> memref<16x1024xf32, #tpu.memory_space<hbm>>
      %dma_start3A_15 = arith.constant 0 : i32
      %dma_start3A_16 = tpu.memref_slice %arg2[%mul3A_2, %dma_start3A_15] : memref<512x1024xf32, #tpu.memory_space<hbm>> -> memref<16x1024xf32, #tpu.memory_space<hbm>>
      tpu.enqueue_dma source(%dma_start3A_16 : memref<16x1024xf32, #tpu.memory_space<hbm>>) target(%arg7 : memref<16x1024xf32, #tpu.memory_space<vmem>>) target_semaphore(%run_scoped3A : memref<!tpu.dma_semaphore, #tpu.memory_space<semaphore_mem>>)
      %dma_wait3A = arith.constant 0 : i32
      %dma_wait3A_17 = tpu.memref_slice %arg2[%mul3A_2, %dma_wait3A] : memref<512x1024xf32, #tpu.memory_space<hbm>> -> memref<16x1024xf32, #tpu.memory_space<hbm>>
      %dma_wait3A_18 = arith.constant 0 : i32
      %dma_wait3A_19 = tpu.memref_slice %arg2[%mul3A_2, %dma_wait3A_18] : memref<512x1024xf32, #tpu.memory_space<hbm>> -> memref<16x1024xf32, #tpu.memory_space<hbm>>
      tpu.wait_dma2 semaphore(%run_scoped3A : memref<!tpu.dma_semaphore, #tpu.memory_space<semaphore_mem>>) src(%dma_wait3A_19 : memref<16x1024xf32, #tpu.memory_space<hbm>>) dst(%arg7 : memref<16x1024xf32, #tpu.memory_space<vmem>>)
      tpu.yield
    }) : () -> ()
    "tpu.region"() ({
      %run_scoped3A = tpu.sem_alloc : memref<!tpu.dma_semaphore, #tpu.memory_space<semaphore_mem>>
      %dma_start3A = arith.constant 0 : i32
      %dma_start3A_14 = tpu.memref_slice %arg3[%mul3A_2, %dma_start3A] : memref<512x16xf32, #tpu.memory_space<hbm>> -> memref<16x16xf32, #tpu.memory_space<hbm>>
      %dma_start3A_15 = arith.constant 0 : i32
      %dma_start3A_16 = tpu.memref_slice %arg3[%mul3A_2, %dma_start3A_15] : memref<512x16xf32, #tpu.memory_space<hbm>> -> memref<16x16xf32, #tpu.memory_space<hbm>>
      tpu.enqueue_dma source(%dma_start3A_16 : memref<16x16xf32, #tpu.memory_space<hbm>>) target(%arg8 : memref<16x16xf32, #tpu.memory_space<vmem>>) target_semaphore(%run_scoped3A : memref<!tpu.dma_semaphore, #tpu.memory_space<semaphore_mem>>)
      %dma_wait3A = arith.constant 0 : i32
      %dma_wait3A_17 = tpu.memref_slice %arg3[%mul3A_2, %dma_wait3A] : memref<512x16xf32, #tpu.memory_space<hbm>> -> memref<16x16xf32, #tpu.memory_space<hbm>>
      %dma_wait3A_18 = arith.constant 0 : i32
      %dma_wait3A_19 = tpu.memref_slice %arg3[%mul3A_2, %dma_wait3A_18] : memref<512x16xf32, #tpu.memory_space<hbm>> -> memref<16x16xf32, #tpu.memory_space<hbm>>
      tpu.wait_dma2 semaphore(%run_scoped3A : memref<!tpu.dma_semaphore, #tpu.memory_space<semaphore_mem>>) src(%dma_wait3A_19 : memref<16x16xf32, #tpu.memory_space<hbm>>) dst(%arg8 : memref<16x16xf32, #tpu.memory_space<vmem>>)
      tpu.yield
    }) : () -> ()
    "tpu.region"() ({
      %run_scoped3A = tpu.sem_alloc : memref<!tpu.dma_semaphore, #tpu.memory_space<semaphore_mem>>
      %dma_start3A = arith.constant 0 : i32
      %dma_start3A_14 = tpu.memref_slice %arg4[%mul3A_2, %dma_start3A] : memref<512x16xf32, #tpu.memory_space<hbm>> -> memref<16x16xf32, #tpu.memory_space<hbm>>
      %dma_start3A_15 = arith.constant 0 : i32
      %dma_start3A_16 = tpu.memref_slice %arg4[%mul3A_2, %dma_start3A_15] : memref<512x16xf32, #tpu.memory_space<hbm>> -> memref<16x16xf32, #tpu.memory_space<hbm>>
      tpu.enqueue_dma source(%dma_start3A_16 : memref<16x16xf32, #tpu.memory_space<hbm>>) target(%arg9 : memref<16x16xf32, #tpu.memory_space<vmem>>) target_semaphore(%run_scoped3A : memref<!tpu.dma_semaphore, #tpu.memory_space<semaphore_mem>>)
      %dma_wait3A = arith.constant 0 : i32
      %dma_wait3A_17 = tpu.memref_slice %arg4[%mul3A_2, %dma_wait3A] : memref<512x16xf32, #tpu.memory_space<hbm>> -> memref<16x16xf32, #tpu.memory_space<hbm>>
      %dma_wait3A_18 = arith.constant 0 : i32
      %dma_wait3A_19 = tpu.memref_slice %arg4[%mul3A_2, %dma_wait3A_18] : memref<512x16xf32, #tpu.memory_space<hbm>> -> memref<16x16xf32, #tpu.memory_space<hbm>>
      tpu.wait_dma2 semaphore(%run_scoped3A : memref<!tpu.dma_semaphore, #tpu.memory_space<semaphore_mem>>) src(%dma_wait3A_19 : memref<16x16xf32, #tpu.memory_space<hbm>>) dst(%arg9 : memref<16x16xf32, #tpu.memory_space<vmem>>)
      tpu.yield
    }) : () -> ()
    %iota3A = tpu.iota {dimensions = array<i32: 0>} : vector<16xi32>
    %eq3A = arith.constant 15 : i32
    %eq3A_3 = vector.broadcast %eq3A : i32 to vector<16xi32>
    %eq3A_4 = arith.cmpi eq, %iota3A, %eq3A_3 : vector<16xi32>
    %broadcast_in_dim3A = arith.constant 0xFF800000 : f32
    %broadcast_in_dim3A_5 = vector.broadcast %broadcast_in_dim3A : f32 to vector<16xf32>
    %broadcast_in_dim3A_6 = arith.constant 0x7F800000 : f32
    %broadcast_in_dim3A_7 = vector.broadcast %broadcast_in_dim3A_6 : f32 to vector<16xf32>
    %scan3A = arith.constant 0 : i32
    %scan3A_8 = arith.constant 0 : i32
    %scan3A_9 = arith.constant 16 : i32
    %scan3A_10 = arith.addi %scan3A_8, %scan3A_9 : i32
    %scan3A_11 = arith.constant 1 : i32
    %scan3A_12 = scf.for %scan3A_14 = %scan3A_8 to %scan3A_10 step %scan3A_11 iter_args(%scan3A_15 = %scan3A) -> (i32)  : i32 {
      %get3A = arith.index_cast %scan3A_14 : i32 to index
      %get3A_16 = arith.constant 0 : index
      %get3A_17 = tpu.vector_load %arg8[%get3A, %get3A_16] {strides = array<i32>} : memref<16x16xf32, #tpu.memory_space<vmem>>, vector<16xf32>,
      %sort3A = arith.constant dense<true> : vector<16xi1>
      %sort3A_18, %sort3A_19, %sort3A_20 = tpu.sort %get3A_17, %get3A_17 masked %sort3A : (vector<16xf32>, vector<16xf32>, vector<16xi1>) -> (vector<16xi1>, vector<16xf32>, vector<16xf32>)
      %broadcast_in_dim3A_21 = arith.constant 0 : i32
      %broadcast_in_dim3A_22 = vector.broadcast %broadcast_in_dim3A_21 : i32 to vector<16xi32>
      %lt3A = arith.constant 0 : i32
      %lt3A_23 = vector.broadcast %lt3A : i32 to vector<16xi32>
      %lt3A_24 = arith.cmpi slt, %broadcast_in_dim3A_22, %lt3A_23 : vector<16xi32>
      %add3A_25 = arith.constant 16 : i32
      %add3A_26 = vector.broadcast %add3A_25 : i32 to vector<16xi32>
      %add3A_27 = arith.addi %broadcast_in_dim3A_22, %add3A_26 : vector<16xi32>
      %select_n3A = arith.select %lt3A_24, %add3A_27, %broadcast_in_dim3A_22 : vector<16xi1>, vector<16xi32>
      %broadcast_in_dim3A_28 = vector.shape_cast %select_n3A : vector<16xi32> to vector<16x1xi32>
      %gather3A = vector.shape_cast %broadcast_in_dim3A_28 : vector<16x1xi32> to vector<16xi32>
      %gather3A_29 = tpu.dynamic_gather %sort3A_19[%gather3A] in [0] : vector<16xf32>, vector<16xi32> -> vector<16xf32>
      %get3A_30 = arith.index_cast %scan3A_14 : i32 to index
      %get3A_31 = arith.constant 0 : index
      %get3A_32 = tpu.vector_load %arg9[%get3A_30, %get3A_31] {strides = array<i32>} : memref<16x16xf32, #tpu.memory_space<vmem>>, vector<16xf32>,
      %sort3A_33 = arith.constant dense<true> : vector<16xi1>
      %sort3A_34, %sort3A_35, %sort3A_36 = tpu.sort %get3A_32, %get3A_32 masked %sort3A_33 : (vector<16xf32>, vector<16xf32>, vector<16xi1>) -> (vector<16xi1>, vector<16xf32>, vector<16xf32>)
      %broadcast_in_dim3A_37 = arith.constant 15 : i32
      %broadcast_in_dim3A_38 = vector.broadcast %broadcast_in_dim3A_37 : i32 to vector<16xi32>
      %lt3A_39 = arith.constant 0 : i32
      %lt3A_40 = vector.broadcast %lt3A_39 : i32 to vector<16xi32>
      %lt3A_41 = arith.cmpi slt, %broadcast_in_dim3A_38, %lt3A_40 : vector<16xi32>
      %add3A_42 = arith.constant 16 : i32
      %add3A_43 = vector.broadcast %add3A_42 : i32 to vector<16xi32>
      %add3A_44 = arith.addi %broadcast_in_dim3A_38, %add3A_43 : vector<16xi32>
      %select_n3A_45 = arith.select %lt3A_41, %add3A_44, %broadcast_in_dim3A_38 : vector<16xi1>, vector<16xi32>
      %broadcast_in_dim3A_46 = vector.shape_cast %select_n3A_45 : vector<16xi32> to vector<16x1xi32>
      %gather3A_47 = vector.shape_cast %broadcast_in_dim3A_46 : vector<16x1xi32> to vector<16xi32>
      %gather3A_48 = tpu.dynamic_gather %sort3A_35[%gather3A_47] in [0] : vector<16xf32>, vector<16xi32> -> vector<16xf32>
      %scan3A_49 = arith.constant 0 : i32
      %scan3A_50 = arith.constant 0 : i32
      %scan3A_51 = arith.constant 0 : i32
      %scan3A_52 = arith.constant 64 : i32
      %scan3A_53 = arith.addi %scan3A_51, %scan3A_52 : i32
      %scan3A_54 = arith.constant 1 : i32
      %scan3A_55:2 = scf.for %scan3A_168 = %scan3A_51 to %scan3A_53 step %scan3A_54 iter_args(%scan3A_169 = %scan3A_49, %scan3A_170 = %scan3A_50) -> (i32, i32)  : i32 {
        %mul3A_171 = arith.constant 16 : i32
        %mul3A_172 = arith.muli %scan3A_168, %mul3A_171 : i32
        %get3A_173 = arith.index_cast %scan3A_14 : i32 to index
        %get3A_174 = arith.index_cast %mul3A_172 : i32 to index
        %get3A_175 = tpu.vector_load %arg7[%get3A_173, %get3A_174] {strides = array<i32>} : memref<16x1024xf32, #tpu.memory_space<vmem>>, vector<16xf32>,
        %ge3A = arith.constant 40 : i32
        %ge3A_176 = arith.cmpi sge, %scan3A_168, %ge3A : i32
        %and3A_177 = vector.broadcast %ge3A_176 : i1 to vector<16xi1>
        %and3A_178 = arith.andi %eq3A_4, %and3A_177 : vector<16xi1>
        %not3A = arith.constant dense<true> : vector<16xi1>
        %not3A_179 = arith.xori %and3A_178, %not3A : vector<16xi1>
        %mul3A_180 = arith.constant 64 : i32
        %mul3A_181 = vector.broadcast %mul3A_180 : i32 to vector<16xi32>
        %mul3A_182 = arith.muli %iota3A, %mul3A_181 : vector<16xi32>
        %add3A_183 = vector.broadcast %scan3A_168 : i32 to vector<16xi32>
        %add3A_184 = arith.addi %mul3A_182, %add3A_183 : vector<16xi32>
        %ge3A_185 = arith.cmpf oge, %get3A_175, %gather3A_29 : vector<16xf32>
        %and3A_186 = arith.andi %ge3A_185, %not3A_179 : vector<16xi1>
        %le3A = arith.cmpf ole, %get3A_175, %gather3A_48 : vector<16xf32>
        %and3A_187 = arith.andi %le3A, %not3A_179 : vector<16xi1>
        %swap3A_188 = arith.index_cast %scan3A_169 : i32 to index
        %swap3A_189 = tpu.vector_load %arg10[%swap3A_188] masked %and3A_186 {strides = array<i32>} : memref<1040xf32, #tpu.memory_space<vmem>>, vector<16xf32>, vector<16xi1>
        tpu.vector_store %arg10[%swap3A_188], %get3A_175 masked %and3A_186 {strides = array<i32>} : memref<1040xf32, #tpu.memory_space<vmem>>, vector<16xf32>, vector<16xi1>
        %swap3A_190 = arith.index_cast %scan3A_169 : i32 to index
        %swap3A_191 = tpu.vector_load %arg11[%swap3A_190] masked %and3A_186 {strides = array<i32>} : memref<1040xi32, #tpu.memory_space<vmem>>, vector<16xi32>, vector<16xi1>
        tpu.vector_store %arg11[%swap3A_190], %add3A_184 masked %and3A_186 {strides = array<i32>} : memref<1040xi32, #tpu.memory_space<vmem>>, vector<16xi32>, vector<16xi1>
        %swap3A_192 = arith.index_cast %scan3A_170 : i32 to index
        %swap3A_193 = tpu.vector_load %arg12[%swap3A_192] masked %and3A_187 {strides = array<i32>} : memref<1040xf32, #tpu.memory_space<vmem>>, vector<16xf32>, vector<16xi1>
        tpu.vector_store %arg12[%swap3A_192], %get3A_175 masked %and3A_187 {strides = array<i32>} : memref<1040xf32, #tpu.memory_space<vmem>>, vector<16xf32>, vector<16xi1>
        %swap3A_194 = arith.index_cast %scan3A_170 : i32 to index
        %swap3A_195 = tpu.vector_load %arg13[%swap3A_194] masked %and3A_187 {strides = array<i32>} : memref<1040xi32, #tpu.memory_space<vmem>>, vector<16xi32>, vector<16xi1>
        tpu.vector_store %arg13[%swap3A_194], %add3A_184 masked %and3A_187 {strides = array<i32>} : memref<1040xi32, #tpu.memory_space<vmem>>, vector<16xi32>, vector<16xi1>
        %all_reduce_population_count3A = tpu.all_reduce %and3A_186 {dim = 0 : i64, kind = #tpu.reduction_kind<sum>} : vector<16xi1> -> vector<16xi32>
        %slice3A = vector.extract_strided_slice %all_reduce_population_count3A {offsets = [0], sizes = [1], strides = [1]} : vector<16xi32> to vector<1xi32>
        %squeeze3A = vector.extract %slice3A[0] : i32 from vector<1xi32>
        %all_reduce_population_count3A_196 = tpu.all_reduce %and3A_187 {dim = 0 : i64, kind = #tpu.reduction_kind<sum>} : vector<16xi1> -> vector<16xi32>
        %slice3A_197 = vector.extract_strided_slice %all_reduce_population_count3A_196 {offsets = [0], sizes = [1], strides = [1]} : vector<16xi32> to vector<1xi32>
        %squeeze3A_198 = vector.extract %slice3A_197[0] : i32 from vector<1xi32>
        %add3A_199 = arith.addi %scan3A_169, %squeeze3A : i32
        %add3A_200 = arith.addi %scan3A_170, %squeeze3A_198 : i32
        scf.yield %add3A_199, %add3A_200 : i32, i32
      }
      %scan3A_56 = arith.constant 64 : i32
      %swap3A = arith.index_cast %scan3A_55#0 : i32 to index
      %swap3A_57 = tpu.vector_load %arg10[%swap3A] {strides = array<i32>} : memref<1040xf32, #tpu.memory_space<vmem>>, vector<16xf32>,
      tpu.vector_store %arg10[%swap3A], %broadcast_in_dim3A_5 {strides = array<i32>} : memref<1040xf32, #tpu.memory_space<vmem>>, vector<16xf32>,
      %broadcast_in_dim3A_58 = arith.constant 0 : i32
      %broadcast_in_dim3A_59 = vector.broadcast %broadcast_in_dim3A_58 : i32 to vector<16xi32>
      %swap3A_60 = arith.index_cast %scan3A_55#0 : i32 to index
      %swap3A_61 = tpu.vector_load %arg11[%swap3A_60] {strides = array<i32>} : memref<1040xi32, #tpu.memory_space<vmem>>, vector<16xi32>,
      tpu.vector_store %arg11[%swap3A_60], %broadcast_in_dim3A_59 {strides = array<i32>} : memref<1040xi32, #tpu.memory_space<vmem>>, vector<16xi32>,
      %swap3A_62 = arith.index_cast %scan3A_55#1 : i32 to index
      %swap3A_63 = tpu.vector_load %arg12[%swap3A_62] {strides = array<i32>} : memref<1040xf32, #tpu.memory_space<vmem>>, vector<16xf32>,
      tpu.vector_store %arg12[%swap3A_62], %broadcast_in_dim3A_7 {strides = array<i32>} : memref<1040xf32, #tpu.memory_space<vmem>>, vector<16xf32>,
      %broadcast_in_dim3A_64 = arith.constant 0 : i32
      %broadcast_in_dim3A_65 = vector.broadcast %broadcast_in_dim3A_64 : i32 to vector<16xi32>
      %swap3A_66 = arith.index_cast %scan3A_55#1 : i32 to index
      %swap3A_67 = tpu.vector_load %arg13[%swap3A_66] {strides = array<i32>} : memref<1040xi32, #tpu.memory_space<vmem>>, vector<16xi32>,
      tpu.vector_store %arg13[%swap3A_66], %broadcast_in_dim3A_65 {strides = array<i32>} : memref<1040xi32, #tpu.memory_space<vmem>>, vector<16xi32>,
      %get3A_68 = arith.constant 0 : index
      %get3A_69 = tpu.vector_load %arg10[%get3A_68] {strides = array<i32>} : memref<1040xf32, #tpu.memory_space<vmem>>, vector<16xf32>,
      %get3A_70 = arith.constant 0 : index
      %get3A_71 = tpu.vector_load %arg11[%get3A_70] {strides = array<i32>} : memref<1040xi32, #tpu.memory_space<vmem>>, vector<16xi32>,
      %masked_sort3A = arith.constant dense<true> : vector<16xi1>
      %masked_sort3A_72, %masked_sort3A_73, %masked_sort3A_74 = tpu.sort %get3A_69, %get3A_71 masked %masked_sort3A : (vector<16xf32>, vector<16xi32>, vector<16xi1>) -> (vector<16xi1>, vector<16xf32>, vector<16xi32>)
      %add3A_75 = arith.constant 16 : i32
      %add3A_76 = arith.addi %scan3A_55#0, %add3A_75 : i32
      %sub3A = arith.constant 1 : i32
      %sub3A_77 = arith.subi %add3A_76, %sub3A : i32
      %jit3A = arith.constant 16 : i32
      %div3A = arith.divsi %sub3A_77, %jit3A : i32
      %sign3A = arith.constant 0 : i32
      %sign3A_78 = arith.cmpi sgt, %sub3A_77, %sign3A : i32
      %sign3A_79 = arith.extui %sign3A_78 : i1 to i32
      %sign3A_80 = arith.constant 0 : i32
      %sign3A_81 = arith.cmpi slt, %sub3A_77, %sign3A_80 : i32
      %sign3A_82 = arith.extui %sign3A_81 : i1 to i32
      %sign3A_83 = arith.subi %sign3A_79, %sign3A_82 : i32
      %sign3A_84 = arith.constant 0 : i32
      %sign3A_85 = arith.cmpi sgt, %jit3A, %sign3A_84 : i32
      %sign3A_86 = arith.extui %sign3A_85 : i1 to i32
      %sign3A_87 = arith.constant 0 : i32
      %sign3A_88 = arith.cmpi slt, %jit3A, %sign3A_87 : i32
      %sign3A_89 = arith.extui %sign3A_88 : i1 to i32
      %sign3A_90 = arith.subi %sign3A_86, %sign3A_89 : i32
      %ne3A = arith.cmpi ne, %sign3A_83, %sign3A_90 : i32
      %rem3A = arith.remsi %sub3A_77, %jit3A : i32
      %ne3A_91 = arith.constant 0 : i32
      %ne3A_92 = arith.cmpi ne, %rem3A, %ne3A_91 : i32
      %and3A = arith.andi %ne3A, %ne3A_92 : i1
      %sub3A_93 = arith.constant 1 : i32
      %sub3A_94 = arith.subi %div3A, %sub3A_93 : i32
      %select_n3A_95 = arith.select %and3A, %sub3A_94, %div3A : i32
      %while3A = arith.constant 1 : i32
      %while3A_96 = arith.subi %select_n3A_95, %while3A : i32
      %while3A_97 = arith.addi %while3A, %while3A_96 : i32
      %while3A_98 = arith.constant 1 : i32
      %while3A_99 = arith.divsi %while3A_96, %while3A_98 : i32
      %while3A_100 = arith.muli %while3A_99, %while3A_98 : i32
      %while3A_101 = arith.addi %while3A, %while3A_100 : i32
      %while3A_102 = arith.constant 1 : i32
      %while3A_103:2 = scf.for %while3A_168 = %while3A to %while3A_101 step %while3A_102 iter_args(%while3A_169 = %masked_sort3A_73, %while3A_170 = %masked_sort3A_74) -> (vector<16xf32>, vector<16xi32>)  : i32 {
        %mul3A_171 = arith.constant 16 : i32
        %mul3A_172 = arith.muli %while3A_168, %mul3A_171 : i32
        %get3A_173 = arith.index_cast %mul3A_172 : i32 to index
        %get3A_174 = tpu.vector_load %arg10[%get3A_173] {strides = array<i32>} : memref<1040xf32, #tpu.memory_space<vmem>>, vector<16xf32>,
        %mul3A_175 = arith.constant 16 : i32
        %mul3A_176 = arith.muli %while3A_168, %mul3A_175 : i32
        %get3A_177 = arith.index_cast %mul3A_176 : i32 to index
        %get3A_178 = tpu.vector_load %arg11[%get3A_177] {strides = array<i32>} : memref<1040xi32, #tpu.memory_space<vmem>>, vector<16xi32>,
        %masked_sort3A_179 = arith.constant dense<true> : vector<16xi1>
        %masked_sort3A_180, %masked_sort3A_181, %masked_sort3A_182 = tpu.sort %get3A_174, %get3A_178 masked %masked_sort3A_179 {descending = true} : (vector<16xf32>, vector<16xi32>, vector<16xi1>) -> (vector<16xi1>, vector<16xf32>, vector<16xi32>)
        %ge3A = arith.cmpf oge, %while3A_169, %masked_sort3A_181 : vector<16xf32>
        %select_n3A_183 = arith.select %ge3A, %while3A_169, %masked_sort3A_181 : vector<16xi1>, vector<16xf32>
        %select_n3A_184 = arith.select %ge3A, %while3A_170, %masked_sort3A_182 : vector<16xi1>, vector<16xi32>
        %masked_sort3A_185 = arith.constant dense<true> : vector<16xi1>
        %masked_sort3A_186, %masked_sort3A_187, %masked_sort3A_188 = tpu.sort %select_n3A_183, %select_n3A_184 masked %masked_sort3A_185 : (vector<16xf32>, vector<16xi32>, vector<16xi1>) -> (vector<16xi1>, vector<16xf32>, vector<16xi32>)
        scf.yield %masked_sort3A_187, %masked_sort3A_188 : vector<16xf32>, vector<16xi32>
      }
      %while3A_104 = arith.constant 1 : i32
      %while3A_105:2 = scf.for %while3A_168 = %while3A_101 to %while3A_97 step %while3A_104 iter_args(%while3A_169 = %while3A_103#0, %while3A_170 = %while3A_103#1) -> (vector<16xf32>, vector<16xi32>)  : i32 {
        %mul3A_171 = arith.constant 16 : i32
        %mul3A_172 = arith.muli %while3A_168, %mul3A_171 : i32
        %get3A_173 = arith.index_cast %mul3A_172 : i32 to index
        %get3A_174 = tpu.vector_load %arg10[%get3A_173] {strides = array<i32>} : memref<1040xf32, #tpu.memory_space<vmem>>, vector<16xf32>,
        %mul3A_175 = arith.constant 16 : i32
        %mul3A_176 = arith.muli %while3A_168, %mul3A_175 : i32
        %get3A_177 = arith.index_cast %mul3A_176 : i32 to index
        %get3A_178 = tpu.vector_load %arg11[%get3A_177] {strides = array<i32>} : memref<1040xi32, #tpu.memory_space<vmem>>, vector<16xi32>,
        %masked_sort3A_179 = arith.constant dense<true> : vector<16xi1>
        %masked_sort3A_180, %masked_sort3A_181, %masked_sort3A_182 = tpu.sort %get3A_174, %get3A_178 masked %masked_sort3A_179 {descending = true} : (vector<16xf32>, vector<16xi32>, vector<16xi1>) -> (vector<16xi1>, vector<16xf32>, vector<16xi32>)
        %ge3A = arith.cmpf oge, %while3A_169, %masked_sort3A_181 : vector<16xf32>
        %select_n3A_183 = arith.select %ge3A, %while3A_169, %masked_sort3A_181 : vector<16xi1>, vector<16xf32>
        %select_n3A_184 = arith.select %ge3A, %while3A_170, %masked_sort3A_182 : vector<16xi1>, vector<16xi32>
        %masked_sort3A_185 = arith.constant dense<true> : vector<16xi1>
        %masked_sort3A_186, %masked_sort3A_187, %masked_sort3A_188 = tpu.sort %select_n3A_183, %select_n3A_184 masked %masked_sort3A_185 : (vector<16xf32>, vector<16xi32>, vector<16xi1>) -> (vector<16xi1>, vector<16xf32>, vector<16xi32>)
        scf.yield %masked_sort3A_187, %masked_sort3A_188 : vector<16xf32>, vector<16xi32>
      }
      %masked_sort3A_106 = arith.constant dense<true> : vector<16xi1>
      %masked_sort3A_107, %masked_sort3A_108, %masked_sort3A_109 = tpu.sort %while3A_105#0, %while3A_105#1 masked %masked_sort3A_106 {descending = true} : (vector<16xf32>, vector<16xi32>, vector<16xi1>) -> (vector<16xi1>, vector<16xf32>, vector<16xi32>)
      %swap3A_110 = arith.index_cast %scan3A_14 : i32 to index
      %swap3A_111 = arith.constant 0 : index
      %swap3A_112 = tpu.vector_load %arg14[%swap3A_110, %swap3A_111] {strides = array<i32>} : memref<16x16xi32, #tpu.memory_space<vmem>>, vector<16xi32>,
      tpu.vector_store %arg14[%swap3A_110, %swap3A_111], %masked_sort3A_109 {strides = array<i32>} : memref<16x16xi32, #tpu.memory_space<vmem>>, vector<16xi32>,
      %get3A_113 = arith.constant 0 : index
      %get3A_114 = tpu.vector_load %arg12[%get3A_113] {strides = array<i32>} : memref<1040xf32, #tpu.memory_space<vmem>>, vector<16xf32>,
      %get3A_115 = arith.constant 0 : index
      %get3A_116 = tpu.vector_load %arg13[%get3A_115] {strides = array<i32>} : memref<1040xi32, #tpu.memory_space<vmem>>, vector<16xi32>,
      %masked_sort3A_117 = arith.constant dense<true> : vector<16xi1>
      %masked_sort3A_118, %masked_sort3A_119, %masked_sort3A_120 = tpu.sort %get3A_114, %get3A_116 masked %masked_sort3A_117 {descending = true} : (vector<16xf32>, vector<16xi32>, vector<16xi1>) -> (vector<16xi1>, vector<16xf32>, vector<16xi32>)
      %add3A_121 = arith.constant 16 : i32
      %add3A_122 = arith.addi %scan3A_55#1, %add3A_121 : i32
      %sub3A_123 = arith.constant 1 : i32
      %sub3A_124 = arith.subi %add3A_122, %sub3A_123 : i32
      %jit3A_125 = arith.constant 16 : i32
      %div3A_126 = arith.divsi %sub3A_124, %jit3A_125 : i32
      %sign3A_127 = arith.constant 0 : i32
      %sign3A_128 = arith.cmpi sgt, %sub3A_124, %sign3A_127 : i32
      %sign3A_129 = arith.extui %sign3A_128 : i1 to i32
      %sign3A_130 = arith.constant 0 : i32
      %sign3A_131 = arith.cmpi slt, %sub3A_124, %sign3A_130 : i32
      %sign3A_132 = arith.extui %sign3A_131 : i1 to i32
      %sign3A_133 = arith.subi %sign3A_129, %sign3A_132 : i32
      %sign3A_134 = arith.constant 0 : i32
      %sign3A_135 = arith.cmpi sgt, %jit3A_125, %sign3A_134 : i32
      %sign3A_136 = arith.extui %sign3A_135 : i1 to i32
      %sign3A_137 = arith.constant 0 : i32
      %sign3A_138 = arith.cmpi slt, %jit3A_125, %sign3A_137 : i32
      %sign3A_139 = arith.extui %sign3A_138 : i1 to i32
      %sign3A_140 = arith.subi %sign3A_136, %sign3A_139 : i32
      %ne3A_141 = arith.cmpi ne, %sign3A_133, %sign3A_140 : i32
      %rem3A_142 = arith.remsi %sub3A_124, %jit3A_125 : i32
      %ne3A_143 = arith.constant 0 : i32
      %ne3A_144 = arith.cmpi ne, %rem3A_142, %ne3A_143 : i32
      %and3A_145 = arith.andi %ne3A_141, %ne3A_144 : i1
      %sub3A_146 = arith.constant 1 : i32
      %sub3A_147 = arith.subi %div3A_126, %sub3A_146 : i32
      %select_n3A_148 = arith.select %and3A_145, %sub3A_147, %div3A_126 : i32
      %while3A_149 = arith.constant 1 : i32
      %while3A_150 = arith.subi %select_n3A_148, %while3A_149 : i32
      %while3A_151 = arith.addi %while3A_149, %while3A_150 : i32
      %while3A_152 = arith.constant 1 : i32
      %while3A_153 = arith.divsi %while3A_150, %while3A_152 : i32
      %while3A_154 = arith.muli %while3A_153, %while3A_152 : i32
      %while3A_155 = arith.addi %while3A_149, %while3A_154 : i32
      %while3A_156 = arith.constant 1 : i32
      %while3A_157:2 = scf.for %while3A_168 = %while3A_149 to %while3A_155 step %while3A_156 iter_args(%while3A_169 = %masked_sort3A_119, %while3A_170 = %masked_sort3A_120) -> (vector<16xf32>, vector<16xi32>)  : i32 {
        %mul3A_171 = arith.constant 16 : i32
        %mul3A_172 = arith.muli %while3A_168, %mul3A_171 : i32
        %get3A_173 = arith.index_cast %mul3A_172 : i32 to index
        %get3A_174 = tpu.vector_load %arg12[%get3A_173] {strides = array<i32>} : memref<1040xf32, #tpu.memory_space<vmem>>, vector<16xf32>,
        %mul3A_175 = arith.constant 16 : i32
        %mul3A_176 = arith.muli %while3A_168, %mul3A_175 : i32
        %get3A_177 = arith.index_cast %mul3A_176 : i32 to index
        %get3A_178 = tpu.vector_load %arg13[%get3A_177] {strides = array<i32>} : memref<1040xi32, #tpu.memory_space<vmem>>, vector<16xi32>,
        %masked_sort3A_179 = arith.constant dense<true> : vector<16xi1>
        %masked_sort3A_180, %masked_sort3A_181, %masked_sort3A_182 = tpu.sort %get3A_174, %get3A_178 masked %masked_sort3A_179 : (vector<16xf32>, vector<16xi32>, vector<16xi1>) -> (vector<16xi1>, vector<16xf32>, vector<16xi32>)
        %le3A = arith.cmpf ole, %while3A_169, %masked_sort3A_181 : vector<16xf32>
        %select_n3A_183 = arith.select %le3A, %while3A_169, %masked_sort3A_181 : vector<16xi1>, vector<16xf32>
        %select_n3A_184 = arith.select %le3A, %while3A_170, %masked_sort3A_182 : vector<16xi1>, vector<16xi32>
        %masked_sort3A_185 = arith.constant dense<true> : vector<16xi1>
        %masked_sort3A_186, %masked_sort3A_187, %masked_sort3A_188 = tpu.sort %select_n3A_183, %select_n3A_184 masked %masked_sort3A_185 {descending = true} : (vector<16xf32>, vector<16xi32>, vector<16xi1>) -> (vector<16xi1>, vector<16xf32>, vector<16xi32>)
        scf.yield %masked_sort3A_187, %masked_sort3A_188 : vector<16xf32>, vector<16xi32>
      }
      %while3A_158 = arith.constant 1 : i32
      %while3A_159:2 = scf.for %while3A_168 = %while3A_155 to %while3A_151 step %while3A_158 iter_args(%while3A_169 = %while3A_157#0, %while3A_170 = %while3A_157#1) -> (vector<16xf32>, vector<16xi32>)  : i32 {
        %mul3A_171 = arith.constant 16 : i32
        %mul3A_172 = arith.muli %while3A_168, %mul3A_171 : i32
        %get3A_173 = arith.index_cast %mul3A_172 : i32 to index
        %get3A_174 = tpu.vector_load %arg12[%get3A_173] {strides = array<i32>} : memref<1040xf32, #tpu.memory_space<vmem>>, vector<16xf32>,
        %mul3A_175 = arith.constant 16 : i32
        %mul3A_176 = arith.muli %while3A_168, %mul3A_175 : i32
        %get3A_177 = arith.index_cast %mul3A_176 : i32 to index
        %get3A_178 = tpu.vector_load %arg13[%get3A_177] {strides = array<i32>} : memref<1040xi32, #tpu.memory_space<vmem>>, vector<16xi32>,
        %masked_sort3A_179 = arith.constant dense<true> : vector<16xi1>
        %masked_sort3A_180, %masked_sort3A_181, %masked_sort3A_182 = tpu.sort %get3A_174, %get3A_178 masked %masked_sort3A_179 : (vector<16xf32>, vector<16xi32>, vector<16xi1>) -> (vector<16xi1>, vector<16xf32>, vector<16xi32>)
        %le3A = arith.cmpf ole, %while3A_169, %masked_sort3A_181 : vector<16xf32>
        %select_n3A_183 = arith.select %le3A, %while3A_169, %masked_sort3A_181 : vector<16xi1>, vector<16xf32>
        %select_n3A_184 = arith.select %le3A, %while3A_170, %masked_sort3A_182 : vector<16xi1>, vector<16xi32>
        %masked_sort3A_185 = arith.constant dense<true> : vector<16xi1>
        %masked_sort3A_186, %masked_sort3A_187, %masked_sort3A_188 = tpu.sort %select_n3A_183, %select_n3A_184 masked %masked_sort3A_185 {descending = true} : (vector<16xf32>, vector<16xi32>, vector<16xi1>) -> (vector<16xi1>, vector<16xf32>, vector<16xi32>)
        scf.yield %masked_sort3A_187, %masked_sort3A_188 : vector<16xf32>, vector<16xi32>
      }
      %masked_sort3A_160 = arith.constant dense<true> : vector<16xi1>
      %masked_sort3A_161, %masked_sort3A_162, %masked_sort3A_163 = tpu.sort %while3A_159#0, %while3A_159#1 masked %masked_sort3A_160 : (vector<16xf32>, vector<16xi32>, vector<16xi1>) -> (vector<16xi1>, vector<16xf32>, vector<16xi32>)
      %swap3A_164 = arith.index_cast %scan3A_14 : i32 to index
      %swap3A_165 = arith.constant 0 : index
      %swap3A_166 = tpu.vector_load %arg15[%swap3A_164, %swap3A_165] {strides = array<i32>} : memref<16x16xi32, #tpu.memory_space<vmem>>, vector<16xi32>,
      tpu.vector_store %arg15[%swap3A_164, %swap3A_165], %masked_sort3A_163 {strides = array<i32>} : memref<16x16xi32, #tpu.memory_space<vmem>>, vector<16xi32>,
      %scan3A_167 = arith.constant 0 : i32
      scf.yield %scan3A_167 : i32
    }
    %scan3A_13 = arith.constant 16 : i32
    "tpu.region"() ({
      %run_scoped3A = tpu.sem_alloc : memref<!tpu.dma_semaphore, #tpu.memory_space<semaphore_mem>>
      %dma_start3A = arith.constant 0 : i32
      %dma_start3A_14 = tpu.memref_slice %arg5[%mul3A_2, %dma_start3A] : memref<512x16xi32, #tpu.memory_space<hbm>> -> memref<16x16xi32, #tpu.memory_space<hbm>>
      %dma_start3A_15 = arith.constant 0 : i32
      %dma_start3A_16 = tpu.memref_slice %arg5[%mul3A_2, %dma_start3A_15] : memref<512x16xi32, #tpu.memory_space<hbm>> -> memref<16x16xi32, #tpu.memory_space<hbm>>
      tpu.enqueue_dma source(%arg14 : memref<16x16xi32, #tpu.memory_space<vmem>>) target(%dma_start3A_16 : memref<16x16xi32, #tpu.memory_space<hbm>>) target_semaphore(%run_scoped3A : memref<!tpu.dma_semaphore, #tpu.memory_space<semaphore_mem>>)
      %dma_wait3A = arith.constant 0 : i32
      %dma_wait3A_17 = tpu.memref_slice %arg5[%mul3A_2, %dma_wait3A] : memref<512x16xi32, #tpu.memory_space<hbm>> -> memref<16x16xi32, #tpu.memory_space<hbm>>
      %dma_wait3A_18 = arith.constant 0 : i32
      %dma_wait3A_19 = tpu.memref_slice %arg5[%mul3A_2, %dma_wait3A_18] : memref<512x16xi32, #tpu.memory_space<hbm>> -> memref<16x16xi32, #tpu.memory_space<hbm>>
      tpu.wait_dma2 semaphore(%run_scoped3A : memref<!tpu.dma_semaphore, #tpu.memory_space<semaphore_mem>>) src(%arg14 : memref<16x16xi32, #tpu.memory_space<vmem>>) dst(%dma_wait3A_19 : memref<16x16xi32, #tpu.memory_space<hbm>>)
      tpu.yield
    }) : () -> ()
    "tpu.region"() ({
      %run_scoped3A = tpu.sem_alloc : memref<!tpu.dma_semaphore, #tpu.memory_space<semaphore_mem>>
      %dma_start3A = arith.constant 0 : i32
      %dma_start3A_14 = tpu.memref_slice %arg6[%mul3A_2, %dma_start3A] : memref<512x16xi32, #tpu.memory_space<hbm>> -> memref<16x16xi32, #tpu.memory_space<hbm>>
      %dma_start3A_15 = arith.constant 0 : i32
      %dma_start3A_16 = tpu.memref_slice %arg6[%mul3A_2, %dma_start3A_15] : memref<512x16xi32, #tpu.memory_space<hbm>> -> memref<16x16xi32, #tpu.memory_space<hbm>>
      tpu.enqueue_dma source(%arg15 : memref<16x16xi32, #tpu.memory_space<vmem>>) target(%dma_start3A_16 : memref<16x16xi32, #tpu.memory_space<hbm>>) target_semaphore(%run_scoped3A : memref<!tpu.dma_semaphore, #tpu.memory_space<semaphore_mem>>)
      %dma_wait3A = arith.constant 0 : i32
      %dma_wait3A_17 = tpu.memref_slice %arg6[%mul3A_2, %dma_wait3A] : memref<512x16xi32, #tpu.memory_space<hbm>> -> memref<16x16xi32, #tpu.memory_space<hbm>>
      %dma_wait3A_18 = arith.constant 0 : i32
      %dma_wait3A_19 = tpu.memref_slice %arg6[%mul3A_2, %dma_wait3A_18] : memref<512x16xi32, #tpu.memory_space<hbm>> -> memref<16x16xi32, #tpu.memory_space<hbm>>
      tpu.wait_dma2 semaphore(%run_scoped3A : memref<!tpu.dma_semaphore, #tpu.memory_space<semaphore_mem>>) src(%arg15 : memref<16x16xi32, #tpu.memory_space<vmem>>) dst(%dma_wait3A_19 : memref<16x16xi32, #tpu.memory_space<hbm>>)
      tpu.yield
    }) : () -> ()
    return
  }
}

module attributes {stable_mosaic.version = 14 : i64} {
  func.func @_tc_scores_body(%arg0: i32, %arg1: memref<128x16xf32, #tpu.memory_space<vmem>>, %arg2: memref<16x1024xf32, #tpu.memory_space<vmem>>, %arg3: memref<1x16xf32, #tpu.memory_space<vmem>>, %arg4: memref<128x1024xf32, #tpu.memory_space<vmem>>, %arg5: memref<128x16xf32, #tpu.memory_space<vmem>>, %arg6: memref<128x16xf32, #tpu.memory_space<vmem>>) attributes {dimension_semantics = [#tpu.dimension_semantics<arbitrary>], iteration_bounds = array<i64: 4>, scalar_prefetch = 0 : i64, scratch_operands = 0 : i64, tpu.core_type = #tpu.core_type<tc>, window_params = [{transform_indices = @transform_0, window_bounds = array<i64: 128, 16>}, {pipeline_mode = #tpu.pipeline_mode<synchronous>, transform_indices = @transform_1, window_bounds = array<i64: 16, 1024>}, {pipeline_mode = #tpu.pipeline_mode<synchronous>, transform_indices = @transform_2, window_bounds = array<i64: 1, 16>}, {transform_indices = @transform_3, window_bounds = array<i64: 128, 1024>}, {transform_indices = @transform_4, window_bounds = array<i64: 128, 16>}, {transform_indices = @transform_5, window_bounds = array<i64: 128, 16>}]} {
    %get3A = arith.constant 0 : index
    %get3A_0 = arith.constant 0 : index
    %get3A_1 = vector.load %arg1[%get3A, %get3A_0] : memref<128x16xf32, #tpu.memory_space<vmem>>, vector<128x16xf32>
    %get3A_2 = arith.constant 0 : index
    %get3A_3 = arith.constant 0 : index
    %get3A_4 = vector.load %arg2[%get3A_2, %get3A_3] : memref<16x1024xf32, #tpu.memory_space<vmem>>, vector<16x1024xf32>
    %get3A_5 = arith.constant 0 : index
    %get3A_6 = arith.constant 0 : index
    %get3A_7 = vector.load %arg3[%get3A_5, %get3A_6] : memref<1x16xf32, #tpu.memory_space<vmem>>, vector<1x16xf32>
    %convert_element_type3A = arith.truncf %get3A_7 : vector<1x16xf32> to vector<1x16xbf16>
    %convert_element_type3A_8 = arith.extf %convert_element_type3A : vector<1x16xbf16> to vector<1x16xf32>
    %broadcast_in_dim3A = arith.constant 0.000000e+00 : f32
    %broadcast_in_dim3A_9 = vector.broadcast %broadcast_in_dim3A : f32 to vector<128x1024xf32>
    %slice3A = vector.extract_strided_slice %get3A_1 {offsets = [0, 0], sizes = [128, 1], strides = [1, 1]} : vector<128x16xf32> to vector<128x1xf32>
    %slice3A_10 = vector.extract_strided_slice %get3A_4 {offsets = [0, 0], sizes = [1, 1024], strides = [1, 1]} : vector<16x1024xf32> to vector<1x1024xf32>
    %add3A = vector.broadcast %slice3A : vector<128x1xf32> to vector<128x1024xf32>
    %add3A_11 = vector.broadcast %slice3A_10 : vector<1x1024xf32> to vector<128x1024xf32>
    %add3A_12 = arith.addf %add3A, %add3A_11 : vector<128x1024xf32>
    %tanh3A = math.tanh %add3A_12 : vector<128x1024xf32>
    %convert_element_type3A_13 = arith.truncf %tanh3A : vector<128x1024xf32> to vector<128x1024xbf16>
    %convert_element_type3A_14 = arith.extf %convert_element_type3A_13 : vector<128x1024xbf16> to vector<128x1024xf32>
    %slice3A_15 = vector.extract_strided_slice %convert_element_type3A_8 {offsets = [0, 0], sizes = [1, 1], strides = [1, 1]} : vector<1x16xf32> to vector<1x1xf32>
    %mul3A = vector.broadcast %slice3A_15 : vector<1x1xf32> to vector<128x1024xf32>
    %mul3A_16 = arith.mulf %mul3A, %convert_element_type3A_14 : vector<128x1024xf32>
    %add3A_17 = arith.addf %broadcast_in_dim3A_9, %mul3A_16 : vector<128x1024xf32>
    %slice3A_18 = vector.extract_strided_slice %get3A_1 {offsets = [0, 1], sizes = [128, 1], strides = [1, 1]} : vector<128x16xf32> to vector<128x1xf32>
    %slice3A_19 = vector.extract_strided_slice %get3A_4 {offsets = [1, 0], sizes = [1, 1024], strides = [1, 1]} : vector<16x1024xf32> to vector<1x1024xf32>
    %add3A_20 = vector.broadcast %slice3A_18 : vector<128x1xf32> to vector<128x1024xf32>
    %add3A_21 = vector.broadcast %slice3A_19 : vector<1x1024xf32> to vector<128x1024xf32>
    %add3A_22 = arith.addf %add3A_20, %add3A_21 : vector<128x1024xf32>
    %tanh3A_23 = math.tanh %add3A_22 : vector<128x1024xf32>
    %convert_element_type3A_24 = arith.truncf %tanh3A_23 : vector<128x1024xf32> to vector<128x1024xbf16>
    %convert_element_type3A_25 = arith.extf %convert_element_type3A_24 : vector<128x1024xbf16> to vector<128x1024xf32>
    %slice3A_26 = vector.extract_strided_slice %convert_element_type3A_8 {offsets = [0, 1], sizes = [1, 1], strides = [1, 1]} : vector<1x16xf32> to vector<1x1xf32>
    %mul3A_27 = vector.broadcast %slice3A_26 : vector<1x1xf32> to vector<128x1024xf32>
    %mul3A_28 = arith.mulf %mul3A_27, %convert_element_type3A_25 : vector<128x1024xf32>
    %add3A_29 = arith.addf %add3A_17, %mul3A_28 : vector<128x1024xf32>
    %slice3A_30 = vector.extract_strided_slice %get3A_1 {offsets = [0, 2], sizes = [128, 1], strides = [1, 1]} : vector<128x16xf32> to vector<128x1xf32>
    %slice3A_31 = vector.extract_strided_slice %get3A_4 {offsets = [2, 0], sizes = [1, 1024], strides = [1, 1]} : vector<16x1024xf32> to vector<1x1024xf32>
    %add3A_32 = vector.broadcast %slice3A_30 : vector<128x1xf32> to vector<128x1024xf32>
    %add3A_33 = vector.broadcast %slice3A_31 : vector<1x1024xf32> to vector<128x1024xf32>
    %add3A_34 = arith.addf %add3A_32, %add3A_33 : vector<128x1024xf32>
    %tanh3A_35 = math.tanh %add3A_34 : vector<128x1024xf32>
    %convert_element_type3A_36 = arith.truncf %tanh3A_35 : vector<128x1024xf32> to vector<128x1024xbf16>
    %convert_element_type3A_37 = arith.extf %convert_element_type3A_36 : vector<128x1024xbf16> to vector<128x1024xf32>
    %slice3A_38 = vector.extract_strided_slice %convert_element_type3A_8 {offsets = [0, 2], sizes = [1, 1], strides = [1, 1]} : vector<1x16xf32> to vector<1x1xf32>
    %mul3A_39 = vector.broadcast %slice3A_38 : vector<1x1xf32> to vector<128x1024xf32>
    %mul3A_40 = arith.mulf %mul3A_39, %convert_element_type3A_37 : vector<128x1024xf32>
    %add3A_41 = arith.addf %add3A_29, %mul3A_40 : vector<128x1024xf32>
    %slice3A_42 = vector.extract_strided_slice %get3A_1 {offsets = [0, 3], sizes = [128, 1], strides = [1, 1]} : vector<128x16xf32> to vector<128x1xf32>
    %slice3A_43 = vector.extract_strided_slice %get3A_4 {offsets = [3, 0], sizes = [1, 1024], strides = [1, 1]} : vector<16x1024xf32> to vector<1x1024xf32>
    %add3A_44 = vector.broadcast %slice3A_42 : vector<128x1xf32> to vector<128x1024xf32>
    %add3A_45 = vector.broadcast %slice3A_43 : vector<1x1024xf32> to vector<128x1024xf32>
    %add3A_46 = arith.addf %add3A_44, %add3A_45 : vector<128x1024xf32>
    %tanh3A_47 = math.tanh %add3A_46 : vector<128x1024xf32>
    %convert_element_type3A_48 = arith.truncf %tanh3A_47 : vector<128x1024xf32> to vector<128x1024xbf16>
    %convert_element_type3A_49 = arith.extf %convert_element_type3A_48 : vector<128x1024xbf16> to vector<128x1024xf32>
    %slice3A_50 = vector.extract_strided_slice %convert_element_type3A_8 {offsets = [0, 3], sizes = [1, 1], strides = [1, 1]} : vector<1x16xf32> to vector<1x1xf32>
    %mul3A_51 = vector.broadcast %slice3A_50 : vector<1x1xf32> to vector<128x1024xf32>
    %mul3A_52 = arith.mulf %mul3A_51, %convert_element_type3A_49 : vector<128x1024xf32>
    %add3A_53 = arith.addf %add3A_41, %mul3A_52 : vector<128x1024xf32>
    %slice3A_54 = vector.extract_strided_slice %get3A_1 {offsets = [0, 4], sizes = [128, 1], strides = [1, 1]} : vector<128x16xf32> to vector<128x1xf32>
    %slice3A_55 = vector.extract_strided_slice %get3A_4 {offsets = [4, 0], sizes = [1, 1024], strides = [1, 1]} : vector<16x1024xf32> to vector<1x1024xf32>
    %add3A_56 = vector.broadcast %slice3A_54 : vector<128x1xf32> to vector<128x1024xf32>
    %add3A_57 = vector.broadcast %slice3A_55 : vector<1x1024xf32> to vector<128x1024xf32>
    %add3A_58 = arith.addf %add3A_56, %add3A_57 : vector<128x1024xf32>
    %tanh3A_59 = math.tanh %add3A_58 : vector<128x1024xf32>
    %convert_element_type3A_60 = arith.truncf %tanh3A_59 : vector<128x1024xf32> to vector<128x1024xbf16>
    %convert_element_type3A_61 = arith.extf %convert_element_type3A_60 : vector<128x1024xbf16> to vector<128x1024xf32>
    %slice3A_62 = vector.extract_strided_slice %convert_element_type3A_8 {offsets = [0, 4], sizes = [1, 1], strides = [1, 1]} : vector<1x16xf32> to vector<1x1xf32>
    %mul3A_63 = vector.broadcast %slice3A_62 : vector<1x1xf32> to vector<128x1024xf32>
    %mul3A_64 = arith.mulf %mul3A_63, %convert_element_type3A_61 : vector<128x1024xf32>
    %add3A_65 = arith.addf %add3A_53, %mul3A_64 : vector<128x1024xf32>
    %slice3A_66 = vector.extract_strided_slice %get3A_1 {offsets = [0, 5], sizes = [128, 1], strides = [1, 1]} : vector<128x16xf32> to vector<128x1xf32>
    %slice3A_67 = vector.extract_strided_slice %get3A_4 {offsets = [5, 0], sizes = [1, 1024], strides = [1, 1]} : vector<16x1024xf32> to vector<1x1024xf32>
    %add3A_68 = vector.broadcast %slice3A_66 : vector<128x1xf32> to vector<128x1024xf32>
    %add3A_69 = vector.broadcast %slice3A_67 : vector<1x1024xf32> to vector<128x1024xf32>
    %add3A_70 = arith.addf %add3A_68, %add3A_69 : vector<128x1024xf32>
    %tanh3A_71 = math.tanh %add3A_70 : vector<128x1024xf32>
    %convert_element_type3A_72 = arith.truncf %tanh3A_71 : vector<128x1024xf32> to vector<128x1024xbf16>
    %convert_element_type3A_73 = arith.extf %convert_element_type3A_72 : vector<128x1024xbf16> to vector<128x1024xf32>
    %slice3A_74 = vector.extract_strided_slice %convert_element_type3A_8 {offsets = [0, 5], sizes = [1, 1], strides = [1, 1]} : vector<1x16xf32> to vector<1x1xf32>
    %mul3A_75 = vector.broadcast %slice3A_74 : vector<1x1xf32> to vector<128x1024xf32>
    %mul3A_76 = arith.mulf %mul3A_75, %convert_element_type3A_73 : vector<128x1024xf32>
    %add3A_77 = arith.addf %add3A_65, %mul3A_76 : vector<128x1024xf32>
    %slice3A_78 = vector.extract_strided_slice %get3A_1 {offsets = [0, 6], sizes = [128, 1], strides = [1, 1]} : vector<128x16xf32> to vector<128x1xf32>
    %slice3A_79 = vector.extract_strided_slice %get3A_4 {offsets = [6, 0], sizes = [1, 1024], strides = [1, 1]} : vector<16x1024xf32> to vector<1x1024xf32>
    %add3A_80 = vector.broadcast %slice3A_78 : vector<128x1xf32> to vector<128x1024xf32>
    %add3A_81 = vector.broadcast %slice3A_79 : vector<1x1024xf32> to vector<128x1024xf32>
    %add3A_82 = arith.addf %add3A_80, %add3A_81 : vector<128x1024xf32>
    %tanh3A_83 = math.tanh %add3A_82 : vector<128x1024xf32>
    %convert_element_type3A_84 = arith.truncf %tanh3A_83 : vector<128x1024xf32> to vector<128x1024xbf16>
    %convert_element_type3A_85 = arith.extf %convert_element_type3A_84 : vector<128x1024xbf16> to vector<128x1024xf32>
    %slice3A_86 = vector.extract_strided_slice %convert_element_type3A_8 {offsets = [0, 6], sizes = [1, 1], strides = [1, 1]} : vector<1x16xf32> to vector<1x1xf32>
    %mul3A_87 = vector.broadcast %slice3A_86 : vector<1x1xf32> to vector<128x1024xf32>
    %mul3A_88 = arith.mulf %mul3A_87, %convert_element_type3A_85 : vector<128x1024xf32>
    %add3A_89 = arith.addf %add3A_77, %mul3A_88 : vector<128x1024xf32>
    %slice3A_90 = vector.extract_strided_slice %get3A_1 {offsets = [0, 7], sizes = [128, 1], strides = [1, 1]} : vector<128x16xf32> to vector<128x1xf32>
    %slice3A_91 = vector.extract_strided_slice %get3A_4 {offsets = [7, 0], sizes = [1, 1024], strides = [1, 1]} : vector<16x1024xf32> to vector<1x1024xf32>
    %add3A_92 = vector.broadcast %slice3A_90 : vector<128x1xf32> to vector<128x1024xf32>
    %add3A_93 = vector.broadcast %slice3A_91 : vector<1x1024xf32> to vector<128x1024xf32>
    %add3A_94 = arith.addf %add3A_92, %add3A_93 : vector<128x1024xf32>
    %tanh3A_95 = math.tanh %add3A_94 : vector<128x1024xf32>
    %convert_element_type3A_96 = arith.truncf %tanh3A_95 : vector<128x1024xf32> to vector<128x1024xbf16>
    %convert_element_type3A_97 = arith.extf %convert_element_type3A_96 : vector<128x1024xbf16> to vector<128x1024xf32>
    %slice3A_98 = vector.extract_strided_slice %convert_element_type3A_8 {offsets = [0, 7], sizes = [1, 1], strides = [1, 1]} : vector<1x16xf32> to vector<1x1xf32>
    %mul3A_99 = vector.broadcast %slice3A_98 : vector<1x1xf32> to vector<128x1024xf32>
    %mul3A_100 = arith.mulf %mul3A_99, %convert_element_type3A_97 : vector<128x1024xf32>
    %add3A_101 = arith.addf %add3A_89, %mul3A_100 : vector<128x1024xf32>
    %slice3A_102 = vector.extract_strided_slice %get3A_1 {offsets = [0, 8], sizes = [128, 1], strides = [1, 1]} : vector<128x16xf32> to vector<128x1xf32>
    %slice3A_103 = vector.extract_strided_slice %get3A_4 {offsets = [8, 0], sizes = [1, 1024], strides = [1, 1]} : vector<16x1024xf32> to vector<1x1024xf32>
    %add3A_104 = vector.broadcast %slice3A_102 : vector<128x1xf32> to vector<128x1024xf32>
    %add3A_105 = vector.broadcast %slice3A_103 : vector<1x1024xf32> to vector<128x1024xf32>
    %add3A_106 = arith.addf %add3A_104, %add3A_105 : vector<128x1024xf32>
    %tanh3A_107 = math.tanh %add3A_106 : vector<128x1024xf32>
    %convert_element_type3A_108 = arith.truncf %tanh3A_107 : vector<128x1024xf32> to vector<128x1024xbf16>
    %convert_element_type3A_109 = arith.extf %convert_element_type3A_108 : vector<128x1024xbf16> to vector<128x1024xf32>
    %slice3A_110 = vector.extract_strided_slice %convert_element_type3A_8 {offsets = [0, 8], sizes = [1, 1], strides = [1, 1]} : vector<1x16xf32> to vector<1x1xf32>
    %mul3A_111 = vector.broadcast %slice3A_110 : vector<1x1xf32> to vector<128x1024xf32>
    %mul3A_112 = arith.mulf %mul3A_111, %convert_element_type3A_109 : vector<128x1024xf32>
    %add3A_113 = arith.addf %add3A_101, %mul3A_112 : vector<128x1024xf32>
    %slice3A_114 = vector.extract_strided_slice %get3A_1 {offsets = [0, 9], sizes = [128, 1], strides = [1, 1]} : vector<128x16xf32> to vector<128x1xf32>
    %slice3A_115 = vector.extract_strided_slice %get3A_4 {offsets = [9, 0], sizes = [1, 1024], strides = [1, 1]} : vector<16x1024xf32> to vector<1x1024xf32>
    %add3A_116 = vector.broadcast %slice3A_114 : vector<128x1xf32> to vector<128x1024xf32>
    %add3A_117 = vector.broadcast %slice3A_115 : vector<1x1024xf32> to vector<128x1024xf32>
    %add3A_118 = arith.addf %add3A_116, %add3A_117 : vector<128x1024xf32>
    %tanh3A_119 = math.tanh %add3A_118 : vector<128x1024xf32>
    %convert_element_type3A_120 = arith.truncf %tanh3A_119 : vector<128x1024xf32> to vector<128x1024xbf16>
    %convert_element_type3A_121 = arith.extf %convert_element_type3A_120 : vector<128x1024xbf16> to vector<128x1024xf32>
    %slice3A_122 = vector.extract_strided_slice %convert_element_type3A_8 {offsets = [0, 9], sizes = [1, 1], strides = [1, 1]} : vector<1x16xf32> to vector<1x1xf32>
    %mul3A_123 = vector.broadcast %slice3A_122 : vector<1x1xf32> to vector<128x1024xf32>
    %mul3A_124 = arith.mulf %mul3A_123, %convert_element_type3A_121 : vector<128x1024xf32>
    %add3A_125 = arith.addf %add3A_113, %mul3A_124 : vector<128x1024xf32>
    %slice3A_126 = vector.extract_strided_slice %get3A_1 {offsets = [0, 10], sizes = [128, 1], strides = [1, 1]} : vector<128x16xf32> to vector<128x1xf32>
    %slice3A_127 = vector.extract_strided_slice %get3A_4 {offsets = [10, 0], sizes = [1, 1024], strides = [1, 1]} : vector<16x1024xf32> to vector<1x1024xf32>
    %add3A_128 = vector.broadcast %slice3A_126 : vector<128x1xf32> to vector<128x1024xf32>
    %add3A_129 = vector.broadcast %slice3A_127 : vector<1x1024xf32> to vector<128x1024xf32>
    %add3A_130 = arith.addf %add3A_128, %add3A_129 : vector<128x1024xf32>
    %tanh3A_131 = math.tanh %add3A_130 : vector<128x1024xf32>
    %convert_element_type3A_132 = arith.truncf %tanh3A_131 : vector<128x1024xf32> to vector<128x1024xbf16>
    %convert_element_type3A_133 = arith.extf %convert_element_type3A_132 : vector<128x1024xbf16> to vector<128x1024xf32>
    %slice3A_134 = vector.extract_strided_slice %convert_element_type3A_8 {offsets = [0, 10], sizes = [1, 1], strides = [1, 1]} : vector<1x16xf32> to vector<1x1xf32>
    %mul3A_135 = vector.broadcast %slice3A_134 : vector<1x1xf32> to vector<128x1024xf32>
    %mul3A_136 = arith.mulf %mul3A_135, %convert_element_type3A_133 : vector<128x1024xf32>
    %add3A_137 = arith.addf %add3A_125, %mul3A_136 : vector<128x1024xf32>
    %slice3A_138 = vector.extract_strided_slice %get3A_1 {offsets = [0, 11], sizes = [128, 1], strides = [1, 1]} : vector<128x16xf32> to vector<128x1xf32>
    %slice3A_139 = vector.extract_strided_slice %get3A_4 {offsets = [11, 0], sizes = [1, 1024], strides = [1, 1]} : vector<16x1024xf32> to vector<1x1024xf32>
    %add3A_140 = vector.broadcast %slice3A_138 : vector<128x1xf32> to vector<128x1024xf32>
    %add3A_141 = vector.broadcast %slice3A_139 : vector<1x1024xf32> to vector<128x1024xf32>
    %add3A_142 = arith.addf %add3A_140, %add3A_141 : vector<128x1024xf32>
    %tanh3A_143 = math.tanh %add3A_142 : vector<128x1024xf32>
    %convert_element_type3A_144 = arith.truncf %tanh3A_143 : vector<128x1024xf32> to vector<128x1024xbf16>
    %convert_element_type3A_145 = arith.extf %convert_element_type3A_144 : vector<128x1024xbf16> to vector<128x1024xf32>
    %slice3A_146 = vector.extract_strided_slice %convert_element_type3A_8 {offsets = [0, 11], sizes = [1, 1], strides = [1, 1]} : vector<1x16xf32> to vector<1x1xf32>
    %mul3A_147 = vector.broadcast %slice3A_146 : vector<1x1xf32> to vector<128x1024xf32>
    %mul3A_148 = arith.mulf %mul3A_147, %convert_element_type3A_145 : vector<128x1024xf32>
    %add3A_149 = arith.addf %add3A_137, %mul3A_148 : vector<128x1024xf32>
    %slice3A_150 = vector.extract_strided_slice %get3A_1 {offsets = [0, 12], sizes = [128, 1], strides = [1, 1]} : vector<128x16xf32> to vector<128x1xf32>
    %slice3A_151 = vector.extract_strided_slice %get3A_4 {offsets = [12, 0], sizes = [1, 1024], strides = [1, 1]} : vector<16x1024xf32> to vector<1x1024xf32>
    %add3A_152 = vector.broadcast %slice3A_150 : vector<128x1xf32> to vector<128x1024xf32>
    %add3A_153 = vector.broadcast %slice3A_151 : vector<1x1024xf32> to vector<128x1024xf32>
    %add3A_154 = arith.addf %add3A_152, %add3A_153 : vector<128x1024xf32>
    %tanh3A_155 = math.tanh %add3A_154 : vector<128x1024xf32>
    %convert_element_type3A_156 = arith.truncf %tanh3A_155 : vector<128x1024xf32> to vector<128x1024xbf16>
    %convert_element_type3A_157 = arith.extf %convert_element_type3A_156 : vector<128x1024xbf16> to vector<128x1024xf32>
    %slice3A_158 = vector.extract_strided_slice %convert_element_type3A_8 {offsets = [0, 12], sizes = [1, 1], strides = [1, 1]} : vector<1x16xf32> to vector<1x1xf32>
    %mul3A_159 = vector.broadcast %slice3A_158 : vector<1x1xf32> to vector<128x1024xf32>
    %mul3A_160 = arith.mulf %mul3A_159, %convert_element_type3A_157 : vector<128x1024xf32>
    %add3A_161 = arith.addf %add3A_149, %mul3A_160 : vector<128x1024xf32>
    %slice3A_162 = vector.extract_strided_slice %get3A_1 {offsets = [0, 13], sizes = [128, 1], strides = [1, 1]} : vector<128x16xf32> to vector<128x1xf32>
    %slice3A_163 = vector.extract_strided_slice %get3A_4 {offsets = [13, 0], sizes = [1, 1024], strides = [1, 1]} : vector<16x1024xf32> to vector<1x1024xf32>
    %add3A_164 = vector.broadcast %slice3A_162 : vector<128x1xf32> to vector<128x1024xf32>
    %add3A_165 = vector.broadcast %slice3A_163 : vector<1x1024xf32> to vector<128x1024xf32>
    %add3A_166 = arith.addf %add3A_164, %add3A_165 : vector<128x1024xf32>
    %tanh3A_167 = math.tanh %add3A_166 : vector<128x1024xf32>
    %convert_element_type3A_168 = arith.truncf %tanh3A_167 : vector<128x1024xf32> to vector<128x1024xbf16>
    %convert_element_type3A_169 = arith.extf %convert_element_type3A_168 : vector<128x1024xbf16> to vector<128x1024xf32>
    %slice3A_170 = vector.extract_strided_slice %convert_element_type3A_8 {offsets = [0, 13], sizes = [1, 1], strides = [1, 1]} : vector<1x16xf32> to vector<1x1xf32>
    %mul3A_171 = vector.broadcast %slice3A_170 : vector<1x1xf32> to vector<128x1024xf32>
    %mul3A_172 = arith.mulf %mul3A_171, %convert_element_type3A_169 : vector<128x1024xf32>
    %add3A_173 = arith.addf %add3A_161, %mul3A_172 : vector<128x1024xf32>
    %slice3A_174 = vector.extract_strided_slice %get3A_1 {offsets = [0, 14], sizes = [128, 1], strides = [1, 1]} : vector<128x16xf32> to vector<128x1xf32>
    %slice3A_175 = vector.extract_strided_slice %get3A_4 {offsets = [14, 0], sizes = [1, 1024], strides = [1, 1]} : vector<16x1024xf32> to vector<1x1024xf32>
    %add3A_176 = vector.broadcast %slice3A_174 : vector<128x1xf32> to vector<128x1024xf32>
    %add3A_177 = vector.broadcast %slice3A_175 : vector<1x1024xf32> to vector<128x1024xf32>
    %add3A_178 = arith.addf %add3A_176, %add3A_177 : vector<128x1024xf32>
    %tanh3A_179 = math.tanh %add3A_178 : vector<128x1024xf32>
    %convert_element_type3A_180 = arith.truncf %tanh3A_179 : vector<128x1024xf32> to vector<128x1024xbf16>
    %convert_element_type3A_181 = arith.extf %convert_element_type3A_180 : vector<128x1024xbf16> to vector<128x1024xf32>
    %slice3A_182 = vector.extract_strided_slice %convert_element_type3A_8 {offsets = [0, 14], sizes = [1, 1], strides = [1, 1]} : vector<1x16xf32> to vector<1x1xf32>
    %mul3A_183 = vector.broadcast %slice3A_182 : vector<1x1xf32> to vector<128x1024xf32>
    %mul3A_184 = arith.mulf %mul3A_183, %convert_element_type3A_181 : vector<128x1024xf32>
    %add3A_185 = arith.addf %add3A_173, %mul3A_184 : vector<128x1024xf32>
    %slice3A_186 = vector.extract_strided_slice %get3A_1 {offsets = [0, 15], sizes = [128, 1], strides = [1, 1]} : vector<128x16xf32> to vector<128x1xf32>
    %slice3A_187 = vector.extract_strided_slice %get3A_4 {offsets = [15, 0], sizes = [1, 1024], strides = [1, 1]} : vector<16x1024xf32> to vector<1x1024xf32>
    %add3A_188 = vector.broadcast %slice3A_186 : vector<128x1xf32> to vector<128x1024xf32>
    %add3A_189 = vector.broadcast %slice3A_187 : vector<1x1024xf32> to vector<128x1024xf32>
    %add3A_190 = arith.addf %add3A_188, %add3A_189 : vector<128x1024xf32>
    %tanh3A_191 = math.tanh %add3A_190 : vector<128x1024xf32>
    %convert_element_type3A_192 = arith.truncf %tanh3A_191 : vector<128x1024xf32> to vector<128x1024xbf16>
    %convert_element_type3A_193 = arith.extf %convert_element_type3A_192 : vector<128x1024xbf16> to vector<128x1024xf32>
    %slice3A_194 = vector.extract_strided_slice %convert_element_type3A_8 {offsets = [0, 15], sizes = [1, 1], strides = [1, 1]} : vector<1x16xf32> to vector<1x1xf32>
    %mul3A_195 = vector.broadcast %slice3A_194 : vector<1x1xf32> to vector<128x1024xf32>
    %mul3A_196 = arith.mulf %mul3A_195, %convert_element_type3A_193 : vector<128x1024xf32>
    %add3A_197 = arith.addf %add3A_185, %mul3A_196 : vector<128x1024xf32>
    %swap3A = arith.constant 0 : index
    %swap3A_198 = arith.constant 0 : index
    %swap3A_199 = vector.load %arg4[%swap3A, %swap3A_198] : memref<128x1024xf32, #tpu.memory_space<vmem>>, vector<128x1024xf32>
    tpu.vector_store %arg4[%swap3A, %swap3A_198], %add3A_197 {strides = array<i32>} : memref<128x1024xf32, #tpu.memory_space<vmem>>, vector<128x1024xf32>,
    %iota3A = tpu.iota {dimensions = array<i32: 1>} : vector<1x128xi32>
    %jit3A = arith.constant 16 : i32
    %eq3A = arith.constant 0 : i32
    %eq3A_200 = arith.cmpi eq, %jit3A, %eq3A : i32
    %jit3A_201 = arith.constant 1 : i32
    %select_n3A = arith.select %eq3A_200, %jit3A_201, %jit3A : i32
    %rem3A = vector.broadcast %select_n3A : i32 to vector<1x128xi32>
    %rem3A_202 = arith.remsi %iota3A, %rem3A : vector<1x128xi32>
    %ne3A = arith.constant 0 : i32
    %ne3A_203 = vector.broadcast %ne3A : i32 to vector<1x128xi32>
    %ne3A_204 = arith.cmpi ne, %rem3A_202, %ne3A_203 : vector<1x128xi32>
    %lt3A = arith.constant 0 : i32
    %lt3A_205 = vector.broadcast %lt3A : i32 to vector<1x128xi32>
    %lt3A_206 = arith.cmpi slt, %rem3A_202, %lt3A_205 : vector<1x128xi32>
    %lt3A_207 = arith.constant 0 : i32
    %lt3A_208 = arith.cmpi slt, %select_n3A, %lt3A_207 : i32
    %ne3A_209 = vector.broadcast %lt3A_208 : i1 to vector<1x128xi1>
    %ne3A_210 = vector.broadcast %ne3A_209 : vector<1x128xi1> to vector<1x128xi1>
    %ne3A_211 = arith.xori %lt3A_206, %ne3A_210 : vector<1x128xi1>
    %and3A = arith.andi %ne3A_211, %ne3A_204 : vector<1x128xi1>
    %add3A_212 = vector.broadcast %select_n3A : i32 to vector<1x128xi32>
    %add3A_213 = arith.addi %rem3A_202, %add3A_212 : vector<1x128xi32>
    %select_n3A_214 = arith.select %and3A, %add3A_213, %rem3A_202 : vector<1x128xi1>, vector<1x128xi32>
    %eq3A_215 = arith.constant 15 : i32
    %eq3A_216 = vector.broadcast %eq3A_215 : i32 to vector<1x128xi32>
    %eq3A_217 = arith.cmpi eq, %select_n3A_214, %eq3A_216 : vector<1x128xi32>
    %slice3A_218 = vector.extract_strided_slice %add3A_197 {offsets = [0, 0], sizes = [128, 128], strides = [1, 1]} : vector<128x1024xf32> to vector<128x128xf32>
    %slice3A_219 = vector.extract_strided_slice %add3A_197 {offsets = [0, 128], sizes = [128, 128], strides = [1, 1]} : vector<128x1024xf32> to vector<128x128xf32>
    %slice3A_220 = vector.extract_strided_slice %add3A_197 {offsets = [0, 256], sizes = [128, 128], strides = [1, 1]} : vector<128x1024xf32> to vector<128x128xf32>
    %slice3A_221 = vector.extract_strided_slice %add3A_197 {offsets = [0, 384], sizes = [128, 128], strides = [1, 1]} : vector<128x1024xf32> to vector<128x128xf32>
    %slice3A_222 = vector.extract_strided_slice %add3A_197 {offsets = [0, 512], sizes = [128, 128], strides = [1, 1]} : vector<128x1024xf32> to vector<128x128xf32>
    %slice3A_223 = vector.extract_strided_slice %add3A_197 {offsets = [0, 640], sizes = [128, 128], strides = [1, 1]} : vector<128x1024xf32> to vector<128x128xf32>
    %slice3A_224 = vector.extract_strided_slice %add3A_197 {offsets = [0, 768], sizes = [128, 128], strides = [1, 1]} : vector<128x1024xf32> to vector<128x128xf32>
    %slice3A_225 = vector.extract_strided_slice %add3A_197 {offsets = [0, 896], sizes = [128, 128], strides = [1, 1]} : vector<128x1024xf32> to vector<128x128xf32>
    %jit3A_226 = arith.constant 0xFF800000 : f32
    %broadcast_in_dim3A_227 = vector.shape_cast %eq3A_217 : vector<1x128xi1> to vector<1x128xi1>
    %broadcast_in_dim3A_228 = vector.broadcast %broadcast_in_dim3A_227 : vector<1x128xi1> to vector<128x128xi1>
    %broadcast_in_dim3A_229 = vector.broadcast %jit3A_226 : f32 to vector<128x128xf32>
    %select_n3A_230 = arith.select %broadcast_in_dim3A_228, %broadcast_in_dim3A_229, %slice3A_223 : vector<128x128xi1>, vector<128x128xf32>
    %jit3A_231 = arith.constant 0x7F800000 : f32
    %broadcast_in_dim3A_232 = vector.shape_cast %eq3A_217 : vector<1x128xi1> to vector<1x128xi1>
    %broadcast_in_dim3A_233 = vector.broadcast %broadcast_in_dim3A_232 : vector<1x128xi1> to vector<128x128xi1>
    %broadcast_in_dim3A_234 = vector.broadcast %jit3A_231 : f32 to vector<128x128xf32>
    %select_n3A_235 = arith.select %broadcast_in_dim3A_233, %broadcast_in_dim3A_234, %slice3A_223 : vector<128x128xi1>, vector<128x128xf32>
    %jit3A_236 = arith.constant 0xFF800000 : f32
    %broadcast_in_dim3A_237 = vector.shape_cast %eq3A_217 : vector<1x128xi1> to vector<1x128xi1>
    %broadcast_in_dim3A_238 = vector.broadcast %broadcast_in_dim3A_237 : vector<1x128xi1> to vector<128x128xi1>
    %broadcast_in_dim3A_239 = vector.broadcast %jit3A_236 : f32 to vector<128x128xf32>
    %select_n3A_240 = arith.select %broadcast_in_dim3A_238, %broadcast_in_dim3A_239, %slice3A_224 : vector<128x128xi1>, vector<128x128xf32>
    %jit3A_241 = arith.constant 0x7F800000 : f32
    %broadcast_in_dim3A_242 = vector.shape_cast %eq3A_217 : vector<1x128xi1> to vector<1x128xi1>
    %broadcast_in_dim3A_243 = vector.broadcast %broadcast_in_dim3A_242 : vector<1x128xi1> to vector<128x128xi1>
    %broadcast_in_dim3A_244 = vector.broadcast %jit3A_241 : f32 to vector<128x128xf32>
    %select_n3A_245 = arith.select %broadcast_in_dim3A_243, %broadcast_in_dim3A_244, %slice3A_224 : vector<128x128xi1>, vector<128x128xf32>
    %jit3A_246 = arith.constant 0xFF800000 : f32
    %broadcast_in_dim3A_247 = vector.shape_cast %eq3A_217 : vector<1x128xi1> to vector<1x128xi1>
    %broadcast_in_dim3A_248 = vector.broadcast %broadcast_in_dim3A_247 : vector<1x128xi1> to vector<128x128xi1>
    %broadcast_in_dim3A_249 = vector.broadcast %jit3A_246 : f32 to vector<128x128xf32>
    %select_n3A_250 = arith.select %broadcast_in_dim3A_248, %broadcast_in_dim3A_249, %slice3A_225 : vector<128x128xi1>, vector<128x128xf32>
    %jit3A_251 = arith.constant 0x7F800000 : f32
    %broadcast_in_dim3A_252 = vector.shape_cast %eq3A_217 : vector<1x128xi1> to vector<1x128xi1>
    %broadcast_in_dim3A_253 = vector.broadcast %broadcast_in_dim3A_252 : vector<1x128xi1> to vector<128x128xi1>
    %broadcast_in_dim3A_254 = vector.broadcast %jit3A_251 : f32 to vector<128x128xf32>
    %select_n3A_255 = arith.select %broadcast_in_dim3A_253, %broadcast_in_dim3A_254, %slice3A_225 : vector<128x128xi1>, vector<128x128xf32>
    %max3A = arith.maximumf %slice3A_218, %slice3A_219 : vector<128x128xf32>
    %max3A_256 = arith.maximumf %max3A, %slice3A_220 : vector<128x128xf32>
    %max3A_257 = arith.maximumf %max3A_256, %slice3A_221 : vector<128x128xf32>
    %max3A_258 = arith.maximumf %max3A_257, %slice3A_222 : vector<128x128xf32>
    %max3A_259 = arith.maximumf %max3A_258, %select_n3A_230 : vector<128x128xf32>
    %max3A_260 = arith.maximumf %max3A_259, %select_n3A_240 : vector<128x128xf32>
    %max3A_261 = arith.maximumf %max3A_260, %select_n3A_250 : vector<128x128xf32>
    %min3A = arith.minimumf %slice3A_218, %slice3A_219 : vector<128x128xf32>
    %min3A_262 = arith.minimumf %min3A, %slice3A_220 : vector<128x128xf32>
    %min3A_263 = arith.minimumf %min3A_262, %slice3A_221 : vector<128x128xf32>
    %min3A_264 = arith.minimumf %min3A_263, %slice3A_222 : vector<128x128xf32>
    %min3A_265 = arith.minimumf %min3A_264, %select_n3A_235 : vector<128x128xf32>
    %min3A_266 = arith.minimumf %min3A_265, %select_n3A_245 : vector<128x128xf32>
    %min3A_267 = arith.minimumf %min3A_266, %select_n3A_255 : vector<128x128xf32>
    %slice3A_268 = vector.extract_strided_slice %max3A_261 {offsets = [0, 0], sizes = [128, 64], strides = [1, 1]} : vector<128x128xf32> to vector<128x64xf32>
    %slice3A_269 = vector.extract_strided_slice %max3A_261 {offsets = [0, 64], sizes = [128, 64], strides = [1, 1]} : vector<128x128xf32> to vector<128x64xf32>
    %max3A_270 = arith.maximumf %slice3A_268, %slice3A_269 : vector<128x64xf32>
    %slice3A_271 = vector.extract_strided_slice %min3A_267 {offsets = [0, 0], sizes = [128, 64], strides = [1, 1]} : vector<128x128xf32> to vector<128x64xf32>
    %slice3A_272 = vector.extract_strided_slice %min3A_267 {offsets = [0, 64], sizes = [128, 64], strides = [1, 1]} : vector<128x128xf32> to vector<128x64xf32>
    %min3A_273 = arith.minimumf %slice3A_271, %slice3A_272 : vector<128x64xf32>
    %slice3A_274 = vector.extract_strided_slice %max3A_270 {offsets = [0, 0], sizes = [128, 32], strides = [1, 1]} : vector<128x64xf32> to vector<128x32xf32>
    %slice3A_275 = vector.extract_strided_slice %max3A_270 {offsets = [0, 32], sizes = [128, 32], strides = [1, 1]} : vector<128x64xf32> to vector<128x32xf32>
    %max3A_276 = arith.maximumf %slice3A_274, %slice3A_275 : vector<128x32xf32>
    %slice3A_277 = vector.extract_strided_slice %min3A_273 {offsets = [0, 0], sizes = [128, 32], strides = [1, 1]} : vector<128x64xf32> to vector<128x32xf32>
    %slice3A_278 = vector.extract_strided_slice %min3A_273 {offsets = [0, 32], sizes = [128, 32], strides = [1, 1]} : vector<128x64xf32> to vector<128x32xf32>
    %min3A_279 = arith.minimumf %slice3A_277, %slice3A_278 : vector<128x32xf32>
    %slice3A_280 = vector.extract_strided_slice %max3A_276 {offsets = [0, 0], sizes = [128, 16], strides = [1, 1]} : vector<128x32xf32> to vector<128x16xf32>
    %slice3A_281 = vector.extract_strided_slice %max3A_276 {offsets = [0, 16], sizes = [128, 16], strides = [1, 1]} : vector<128x32xf32> to vector<128x16xf32>
    %max3A_282 = arith.maximumf %slice3A_280, %slice3A_281 : vector<128x16xf32>
    %slice3A_283 = vector.extract_strided_slice %min3A_279 {offsets = [0, 0], sizes = [128, 16], strides = [1, 1]} : vector<128x32xf32> to vector<128x16xf32>
    %slice3A_284 = vector.extract_strided_slice %min3A_279 {offsets = [0, 16], sizes = [128, 16], strides = [1, 1]} : vector<128x32xf32> to vector<128x16xf32>
    %min3A_285 = arith.minimumf %slice3A_283, %slice3A_284 : vector<128x16xf32>
    %swap3A_286 = arith.constant 0 : index
    %swap3A_287 = arith.constant 0 : index
    %swap3A_288 = vector.load %arg5[%swap3A_286, %swap3A_287] : memref<128x16xf32, #tpu.memory_space<vmem>>, vector<128x16xf32>
    tpu.vector_store %arg5[%swap3A_286, %swap3A_287], %max3A_282 {strides = array<i32>} : memref<128x16xf32, #tpu.memory_space<vmem>>, vector<128x16xf32>,
    %swap3A_289 = arith.constant 0 : index
    %swap3A_290 = arith.constant 0 : index
    %swap3A_291 = vector.load %arg6[%swap3A_289, %swap3A_290] : memref<128x16xf32, #tpu.memory_space<vmem>>, vector<128x16xf32>
    tpu.vector_store %arg6[%swap3A_289, %swap3A_290], %min3A_285 {strides = array<i32>} : memref<128x16xf32, #tpu.memory_space<vmem>>, vector<128x16xf32>,
    return
  }
  func.func @transform_0(%arg0: i32) -> (i32, i32) {
    %c0_i32 = arith.constant 0 : i32
    %c0_i32_0 = arith.constant 0 : i32
    return %arg0, %c0_i32 : i32, i32
  }
  func.func @transform_1(%arg0: i32) -> (i32, i32) {
    %c0_i32 = arith.constant 0 : i32
    %c0_i32_0 = arith.constant 0 : i32
    %c0_i32_1 = arith.constant 0 : i32
    return %c0_i32, %c0_i32_0 : i32, i32
  }
  func.func @transform_2(%arg0: i32) -> (i32, i32) {
    %c0_i32 = arith.constant 0 : i32
    %c0_i32_0 = arith.constant 0 : i32
    %c0_i32_1 = arith.constant 0 : i32
    return %c0_i32, %c0_i32_0 : i32, i32
  }
  func.func @transform_3(%arg0: i32) -> (i32, i32) {
    %c0_i32 = arith.constant 0 : i32
    %c0_i32_0 = arith.constant 0 : i32
    return %arg0, %c0_i32 : i32, i32
  }
  func.func @transform_4(%arg0: i32) -> (i32, i32) {
    %c0_i32 = arith.constant 0 : i32
    %c0_i32_0 = arith.constant 0 : i32
    return %arg0, %c0_i32 : i32, i32
  }
  func.func @transform_5(%arg0: i32) -> (i32, i32) {
    %c0_i32 = arith.constant 0 : i32
    %c0_i32_0 = arith.constant 0 : i32
    return %arg0, %c0_i32 : i32, i32
  }
}

</mosaic_0001>

<sc_bundles>
// kernel: kernel.6.cloned.1.call-start
scs
__scs_entry_jumppad:
0x0: {  	(pc) =	sbr.rel $0x88, $3  }
0x1: {  	(tag) =	ssettag $0x0;
	lr =	simm.s32 $0x1  }
0x2: {  	[smem:$0x3F9C] =	sst lr;
	_ =	strace $0xD0000000  }
0x3: {  	_ = 	snop  }
0x4: {  	_ = 	snop  }
0x5: {  	_ = 	snop  }
0x6: {  	_ = 	snop  }
0x7: {  	_ = 	snop  }
__scs_overlays_trampoline_lowered:
0x8: {  	[smem:$0x3FAB] =	sst s0  }
0x9: {  	[smem:$0x3FAC] =	sst s1  }
0xa: {  	[smem:$0x3FAD] =	sst s2  }
0xb: {  	[smem:$0x3FAE] =	sst s3  }
0xc: {  	[smem:$0x3FAF] =	sst s4  }
0xd: {  	[smem:$0x3FB0] =	sst s5  }
0xe: {  	[smem:$0x3FB1] =	sst s6  }
0xf: {  	[smem:$0x3FB2] =	sst s7  }
0x10: {  	[smem:$0x3FB3] =	sst s8  }
0x11: {  	[smem:$0x3FB4] =	sst s9;
	s0 =	simm.s32 @!p0 $0x0  }
0x12: {  	s1 =	sld [smem:$0x3F9A];
	s0 =	simm.s32 @p0 $0x1  }
0x13: {  	[smem:$0x3FB5] =	sst s0;
	s0 =	simm.s32 @!p1 $0x0  }
0x14: {  	s2 =	sld [smem:$0x3F99];
	s0 =	simm.s32 @p1 $0x1  }
0x15: {  	[smem:$0x3FB6] =	sst s0;
	s0 =	simm.s32 @!p2 $0x0  }
0x16: {  	s3 =	sld [smem:$0x3FDB];
	s0 =	simm.s32 @p2 $0x1  }
0x17: {  	s4 =	simm.s32 $0x1BF5;
	[smem:$0x3FB8] =	sst s0  }
0x18: {  	s0 =	sld [smem:$0x3F9B];
	_ =	swait.ge [sflag:s4], $0x0  }
0x19: {  	s7 =	sld [smem:$0x3F9C]  }
0x1a: {  	s8 =	sadd.s32 $0xFFFFE003, lr  }
0x1b: {  	s9 =	sadd.s32 $0xFFFFFEF7, lr;
	s5 =	simm.s32 $0xFFFFFFFF;
	p2 =	slt.u32 s8, $0xFFFFF086  }
0x1c: {  	p1 =	slt.u32 s9, $0xF7A;
	s5 =	simm.s32 @!p2 $0x0  }
0x1d: {  	s5 =	simm.s32 @p1 $0x1;
	p0 =	seq.s32 s7, s2  }
0x1e: {  	s7 =	smul.u32 @!p0 $0xF7A, s2;
	p2 =	seq.s32 @!p0 s5, $0x0  }
0x1f: {  	s9 =	smul.u32 $0xF7A, s1;
	s8 =	simm.s32 @!p0 $0x1BF5;
	p2 =	por !p2, p0  }
0x20: {  	[sflag:s8] =	ssyncset.s32 @!p0 $0xFFFFF086;
	s6 =	sadd.s32 @!p0 s3, s7;
	s7 =	simm.s32 @!p0 $0x108  }
0x21: {  	s3 =	sadd.s32 s3, s9;
	s6 =	sadd.s32 @!p0 $0x88, s6;
	s7 =	simm.s32 @p2 $0x1082  }
0x22: {  	[simem:s7], [sflag:s8] =	dma.local @!p0 [hbm:s6], $0xF7A  }
0x23: {  	s9 =	sor.u32 $0xD0000000, s2;
	s6 =	simm.s32 $0x108;
	_ =	swait.ge @!p0 [sflag:s8], $0x0  }
0x24: {  	s3 =	sadd.s32 $0x88, s3;
	s6 =	simm.s32 @!p1 $0x1082;
	[sflag:s4] =	ssyncset.s32 $0xFFFFF086  }
0x25: {  	[simem:s6], [sflag:s4] =	dma.local [hbm:s3], $0xF7A  }
0x26: {  	[smem:$0x3F9C] =	sst s1;
	(tag) =	ssettag s2;
	_ =	strace s9  }
0x27: {  	s1 =	sld [smem:$0x3FAC]  }
0x28: {  	s2 =	sld [smem:$0x3FAD]  }
0x29: {  	s4 =	sld [smem:$0x3FAF]  }
0x2a: {  	p0 =	seq.s32 s5, $0x0;
	s5 =	sld [smem:$0x3FB0]  }
0x2b: {  	s6 =	sld [smem:$0x3FB1]  }
0x2c: {  	s7 =	sld [smem:$0x3FB2]  }
0x2d: {  	s3 =	simm.s32 $0x108;
	s8 =	sld [smem:$0x3FB3]  }
0x2e: {  	s3 =	simm.s32 @!p0 $0x1082;
	s9 =	sld [smem:$0x3FB4]  }
0x2f: {  	lr =	sadd.s32 s0, s3;
	s0 =	sld [smem:$0x3FAB]  }
0x30: {  	s3 =	sld [smem:$0x3FAE]  }
0x31: {  	[smem:$0x3FB7] =	sst s10  }
0x32: {  	s10 =	sld [smem:$0x3FB5];
	_ =	sdelay $0x3  }
0x33: {  	p0 =	seq.s32 s10, $0x1;
	s10 =	sld [smem:$0x3FB7];
	_ =	sdelay $0x3  }
0x34: {  	[smem:$0x3FB7] =	sst s10  }
0x35: {  	s10 =	sld [smem:$0x3FB6];
	_ =	sdelay $0x3  }
0x36: {  	p1 =	seq.s32 s10, $0x1;
	s10 =	sld [smem:$0x3FB7];
	_ =	sdelay $0x3  }
0x37: {  	[smem:$0x3FB7] =	sst s10  }
0x38: {  	s10 =	sld [smem:$0x3FB8]  }
0x39: {  	_ = 	snop;
	(pc) =	sbr.ind lr, $3  }
0x3a: {  	_ = 	snop  }
0x3b: {  	_ = 	snop  }
0x3c: {  	p2 =	seq.s32 s10, $0x1;
	s10 =	sld [smem:$0x3FB7]  }
0x3d: {  	_ =	shalt  }
0x3e: {  	_ =	shalt  }
0x3f: {  	_ =	shalt  }
0x40: {  	_ =	shalt  }
0x41: {  	_ =	shalt  }
0x42: {  	_ =	shalt  }
0x43: {  	_ =	shalt  }
0x44: {  	_ =	shalt  }
0x45: {  	_ =	shalt  }
0x46: {  	_ =	shalt  }
0x47: {  	_ =	shalt  }
0x48: {  	_ =	shalt  }
0x49: {  	_ =	shalt  }
0x4a: {  	_ =	shalt  }
0x4b: {  	_ =	shalt  }
0x4c: {  	_ =	shalt  }
0x4d: {  	_ =	shalt  }
0x4e: {  	_ =	shalt  }
0x4f: {  	_ =	shalt  }
0x50: {  	_ =	shalt  }
0x51: {  	_ =	shalt  }
0x52: {  	_ =	shalt  }
0x53: {  	_ =	shalt  }
0x54: {  	_ =	shalt  }
0x55: {  	_ =	shalt  }
0x56: {  	_ =	shalt  }
0x57: {  	_ =	shalt  }
0x58: {  	_ =	shalt  }
0x59: {  	_ =	shalt  }
0x5a: {  	_ =	shalt  }
0x5b: {  	_ =	shalt  }
0x5c: {  	_ =	shalt  }
0x5d: {  	_ =	shalt  }
0x5e: {  	_ =	shalt  }
0x5f: {  	_ =	shalt  }
0x60: {  	_ =	shalt  }
0x61: {  	_ =	shalt  }
0x62: {  	_ =	shalt  }
0x63: {  	_ =	shalt  }
0x64: {  	_ =	shalt  }
0x65: {  	_ =	shalt  }
0x66: {  	_ =	shalt  }
0x67: {  	_ =	shalt  }
0x68: {  	_ =	shalt  }
0x69: {  	_ =	shalt  }
0x6a: {  	_ =	shalt  }
0x6b: {  	_ =	shalt  }
0x6c: {  	_ =	shalt  }
0x6d: {  	_ =	shalt  }
0x6e: {  	_ =	shalt  }
0x6f: {  	_ =	shalt  }
0x70: {  	_ =	shalt  }
0x71: {  	_ =	shalt  }
0x72: {  	_ =	shalt  }
0x73: {  	_ =	shalt  }
0x74: {  	_ =	shalt  }
0x75: {  	_ =	shalt  }
0x76: {  	_ =	shalt  }
0x77: {  	_ =	shalt  }
0x78: {  	_ =	shalt  }
0x79: {  	_ =	shalt  }
0x7a: {  	_ =	shalt  }
0x7b: {  	_ =	shalt  }
0x7c: {  	_ =	shalt  }
0x7d: {  	_ =	shalt  }
0x7e: {  	_ =	shalt  }
0x7f: {  	_ =	shalt  }
0x80: {  	_ =	shalt  }
0x81: {  	_ =	shalt  }
0x82: {  	_ =	shalt  }
0x83: {  	_ =	shalt  }
0x84: {  	_ =	shalt  }
0x85: {  	_ =	shalt  }
0x86: {  	_ =	shalt  }
0x87: {  	_ =	shalt  }
.Lfunc_end0:
.L_simem_size_0:
called_computation_lowered:
.L_overlay_start_0:
0x88: {  	s2 =	sld [smem:$0x3FD9]  }
0x89: {  	s3 =	sld [smem:$0x3FFE];
	_ =	sdelay $0x1  }
0x8a: {  	s1 =	srdreg.scid  }
0x8b: {  	s0 =	sand.u32 $0x1, s1  }
0x8c: {  	s17 =	sshll.u32 s0, $0xA;
	s2 =	sadd.s32 s3, s2  }
0x8d: {  	s2 =	sadd.s32 s2, s17  }
0x8e: {  	[smem:$0x3FC3] =	sst s2  }
0x8f: {  	_ = 	snop  }
0x90: {  	(tm) =	ssettm $0x1  }
0x91: {  	s18 =	sld [smem:$0x3FFB];
	_ =	sdelay $0x3  }
0x92: {  	_ =	strace s18  }
0x93: {  	s2 =	sld [smem:$0x3FFC];
	_ =	sdelay $0x3  }
0x94: {  	_ =	strace s2  }
0x95: {  	s2 =	sld [smem:$0x3FFD];
	_ =	sdelay $0x3  }
0x96: {  	_ =	strace s2  }
0x97: {  	_ =	strace $0x8FFFFFFF  }
0x98: {  	s19 =	sld [smem:$0x3FDB];
	_ =	sdelay $0x1  }
0x99: {  	s20 =	simm.s32 $_scs_section_size  }
0x9a: {  	s4 =	simm.s32 $_size__tile_overlayer_lowered;
	s5 =	simm.s32 $_tile_overlayer_lowered  }
0x9b: {  	s6 =	simm.s32 $0x1BFF;
	s21 =	sshll.u32 s5, $0x1;
	s3 =	sadd.s32 s20, s19  }
0x9c: {  	s22 =	simm.s32 $0x0;
	s4 =	sshll.u32 s4, $0x1;
	s5 =	sadd.s32 s21, s3  }
0x9d: {  	[timem:s22], [sflag:s6] =	dma.local [hbm:s5], s4  }
0x9e: {  	_ =	swait.ge [sflag:s6], s4  }
0x9f: {  	s4 =	ssub.s32 $0x0, s4;
	[sflag:s6] =	ssyncset.done $0x0  }
0xa0: {  	[sflag:s6] =	ssyncadd.s32 s4;
	_ =	sdelay $0x1  }
0xa1: {  	s23 =	simm.s32 $0x1B8B  }
0xa2: {  	_ =	swait.ge [sflag:s23], $0x1  }
0xa3: {  	[sflag:s23] =	ssyncset.done $0x0  }
0xa4: {  	[sflag:s23] =	ssyncadd.s32 $0xFFFFFFFF  }
0xa5: {  	s4 =	sld [smem:$0x0]  }
0xa6: {  	s5 =	sand.u32 $0xFFFFFFFE, s1  }
0xa7: {  	p0 =	sne.s32 s1, s5  }
0xa8: {  	s5 =	sshll.u32 @p0 s5, $0xE  }
0xa9: {  	s5 =	sadd.s32 @p0 $0x11B8D, s5;
	s6 =	sshll.u32 @p0 s4, $0x11  }
0xaa: {  	s5 =	sor.u32 @p0 s6, s5  }
0xab: {  	[sflag:s5] =	ssyncadd.remote.s32 @p0 $0x1;
	_ =	sdelay $0x1  }
0xac: {  	s5 =	simm.s32 @p0 $0x1B8D  }
0xad: {  	_ =	swait.eq @p0 [sflag:s5], $0x1  }
0xae: {  	[sflag:s5] =	ssyncadd.s32 @p0 $0xFFFFFFFF  }
0xaf: {  	s6 =	sshll.u32 @!p0 s1, $0xE  }
0xb0: {  	s6 =	sor.u32 @!p0 $0x4000, s6;
	s5 =	simm.s32 @!p0 $0x1B8D  }
0xb1: {  	s4 =	sshll.u32 @!p0 s4, $0x11;
	s6 =	sadd.s32 @!p0 $0x11B8D, s6;
	_ =	swait.eq @!p0 [sflag:s5], $0x1  }
0xb2: {  	s4 =	sor.u32 @!p0 s4, s6;
	[sflag:s5] =	ssyncadd.s32 @!p0 $0xFFFFFFFF  }
0xb3: {  	s25 =	simm.s32 $0x1B8E;
	s24 =	sld [smem:$0x3FFE];
	[sflag:s4] =	ssyncadd.remote.s32 @!p0 $0x1  }
0xb4: {  	s26 =	simm.s32 $execute0_lowered;
	[smem:$0x3FD2] =	sst s25  }
0xb5: {  	s5 =	sshll.u32 s26, $0x1;
	_ =	strace $0x80000049;
	[dreg:$0x1] =	wrdreg $0xFFFFFFFF  }
0xb6: {  	s28 =	simm.s32 $_size_execute0_lowered;
	s3 =	sadd.s32 s3, s5;
	[dreg:$0x0] =	wrdreg $0x0  }
0xb7: {  	s5 =	sshll.u32 s28, $0x1;
	[dreg:$0x2] =	wrdreg s3  }
0xb8: {  	[dreg:$0x3] =	wrdreg s5  }
0xb9: {  	[dreg:$0x4] =	wrdreg $0xC0  }
0xba: {  	_ =	task [dreg:s22], $0x5FFFF  }
0xbb: {  	[dreg:$0x1] =	wrdreg $0xFFFFFFFF  }
0xbc: {  	[dreg:$0x0] =	wrdreg $0x60  }
0xbd: {  	[dreg:$0x2] =	wrdreg s24  }
0xbe: {  	[dreg:$0x3] =	wrdreg $0x9  }
0xbf: {  	_ =	task.clear_ibuf [dreg:s22], $0x4FFFF;
	_ =	strace $0x90000049  }
0xc0: {  	s29 =	simm.s32 $0x9;
	_ =	strace $0x8000004B  }
0xc1: {  	_ =	swait.ge [sflag:s29], $0x1  }
0xc2: {  	[sflag:s29] =	ssyncadd.s32 $0xFFFFFFFF  }
0xc3: {  	_ =	strace $0x9000004B  }
0xc4: {  	_ =	sfence  }
0xc5: {  	s30 =	sld [smem:$0x0];
	_ =	sdelay $0x2  }
0xc6: {  	s31 =	sshll.u32 s1, $0xD;
	s1 =	sshrl.u32 s1, $0x2  }
0xc7: {  	s4 =	sand.u32 $0x4000, s31;
	s1 =	sadd.s32 s1, s30  }
0xc8: {  	s0 =	sor.u32 s4, s0;
	s1 =	sshll.u32 s1, $0x11  }
0xc9: {  	s0 =	sor.u32 s1, s0  }
0xca: {  	s0 =	sadd.s32 $0x8F2B, s0  }
0xcb: {  	[sflag:s0] =	ssyncadd.remote.s32 $0x1  }
0xcc: {  	_ =	sfence.sel $0xFFFF  }
0xcd: {  	[dreg:$0x0] =	wrdreg $0xFFFFFFFF;
	(pc) =	sbr.abs _section_cstart, $3  }
0xce: {  	[dreg:$0x1] =	wrdreg $0xFFFFFFFF  }
0xcf: {  	_ =	task.clear_ibuf [dreg:s22], $0x2FFFF;
	_ =	strace $0x9FFFFFFF  }
0xd0: {  	(tm) =	ssettm $0x7FFFFFFF  }
0xd1: {  	_ =	shalt  }
tec
execute0_lowered:
.L_overlay_start_1:
0x0: {  	(tag) =	ssettag $0x1  }
0x1: {  	s3 =	rddreg [dreg:$0x0]  }
0x2: {  	s0 =	rddreg [dreg:$0x1];
	s4 =	srdreg.scid;
	s2 =	simm.s32 $0x0  }
0x3: {  	s1 =	stileid.u32;
	s10 =	simm.s32 $0x4000;
	s11 =	simm.s32 $0x4800  }
0x4: {  	s12 =	simm.s32 $0x6200;
	s13 =	simm.s32 $0x6A00;
	s4 =	sand.u32 $0x1, s4  }
0x5: {  	[smem:$0x7FF] =	sst s2;
	s5 =	sshll.u32 s1, $0x5;
	s6 =	sshll.u32 s4, $0x4  }
0x6: {  	s14 =	simm.s32 $0x0;
	_ =	strace $0x8000004A;
	s5 =	sor.u32 s6, s5  }
.Ltmp0:
0x7: {  	s4 =	ssub.s32 $0x2, s4;
	s6 =	sshll.u32 s5, $0x7;
	(pc) =	sbr.rel .LBB2_1-.Ltmp0, $4  }
0x8: {  	s7 =	sshrl.u32 s4, $0x1;
	s5 =	sshll.u32 s5, $0x4;
	s6 =	sadd.s32 s6, s3  }
0x9: {  	v0 =	vimm.s32 $0x0;
	v1 =	vimm.s32 $0xF;
	s9 =	ssub.s32 s4, s7;
	s8 =	sadd.s32 s5, s3;
	s3 =	sadd.s32 $0x1A800, s6  }
0xa: {  	vm0 =	vmxor vm0, vm0;
	vm1 =	vcmask $0x3F3C;
	v2 =	vlaneseq.u32;
	s4 =	sadd.s32 $0x2A800, s8;
	s5 =	sadd.s32 $0x2C800, s8;
	s6 =	sadd.s32 $0x2E800, s8  }
0xb: {  	v3 =	vimm.f32 $-Inf;
	v4 =	vimm.f32 $+Inf;
	v2 =	vmul.u32 $0x40, v2;
	s7 =	sadd.s32 $0x30800, s8;
	s8 =	smax.u32 s9, $0x1;
	s9 =	simm.s32 $0x1  }
.LBB2_21:
0xc: {  	[hbm4b:s6+s2] =	stream.linear.scatter [tilespmem:s12], [sflag:$0x1], $0x800, $0x38;
	[tilespmem:$0x7200] =	vst v63  }
0xd: {  	s14 =	sadd.s32 $0x1, s14;
	_ =	swait.ge [sflag:s9], $0x800  }
0xe: {  	p0 =	sne.s32 s14, s8;
	[sflag:s9] =	ssyncset.done $0x0  }
.Ltmp1:
0xf: {  	[sflag:s9] =	ssyncadd.s32 $0xFFFFF800;
	(pc) =	sbr.rel @!p0 .LBB2_22-.Ltmp1, $4  }
0x10: {  	[hbm4b:s7+s2] =	stream.linear.scatter [tilespmem:s13], [sflag:$0x1], $0x800, $0x38;
	[tilespmem:$0x7200] =	vst v63  }
0x11: {  	_ =	swait.ge [sflag:s9], $0x800  }
0x12: {  	[sflag:s9] =	ssyncset.done $0x0  }
0x13: {  	[sflag:s9] =	ssyncadd.s32 $0xFFFFF800  }
.LBB2_1:
0x14: {  	[tilespmem:s2], [sflag:$0x1] =	stream.linear.gather [hbm4b:s3+s2], $0x4000, $0x38;
	[tilespmem:$0x7200] =	vst v63  }
0x15: {  	_ =	swait.ge [sflag:s9], $0x4000  }
0x16: {  	[sflag:s9] =	ssyncset.done $0x0  }
0x17: {  	[sflag:s9] =	ssyncadd.s32 $0xFFFFC000  }
0x18: {  	[tilespmem:s10], [sflag:$0x1] =	stream.linear.gather [hbm4b:s4+s2], $0x800, $0x38;
	[tilespmem:$0x7200] =	vst v63  }
0x19: {  	_ =	swait.ge [sflag:s9], $0x800  }
0x1a: {  	[sflag:s9] =	ssyncset.done $0x0  }
.Ltmp2:
0x1b: {  	[sflag:s9] =	ssyncadd.s32 $0xFFFFF800;
	(pc) =	sbr.rel .LBB2_2-.Ltmp2, $4  }
0x1c: {  	[tilespmem:s11], [sflag:$0x1] =	stream.linear.gather [hbm4b:s5+s2], $0x800, $0x38;
	[tilespmem:$0x7200] =	vst v63  }
0x1d: {  	_ =	swait.ge [sflag:s9], $0x800  }
0x1e: {  	[sflag:s9] =	ssyncset.done $0x0  }
0x1f: {  	s15 =	simm.s32 $0x0;
	[sflag:s9] =	ssyncadd.s32 $0xFFFFF800  }
.LBB2_14:
0x20: {  	_ = 	snop  }
.LBB2_19:
0x21: {  	v9, v10, _ =	vpop @p0 (xrf1)  }
0x22: {  	v11, v12, _ =	vpop @p1 (xrf1)  }
0x23: {  	v11 =	vpsel p1, v11, v6  }
0x24: {  	v12 =	vpsel p1, v12, v5;
	vm2 =	vle.f32 @p0 v11, v9  }
0x25: {  	(xrf1) =	vsort.ascd.msk.f32 $0xffff, v7, v8;
	v7 =	vsel @p0 vm2, v11, v9;
	v8 =	vsel @p0 vm2, v12, v10  }
0x26: {  	(xrf1) =	vsort.dscd.msk.f32 @p0 $0xffff, v7, v8;
	_ =	sdelay $0xc  }
0x27: {  	v7, v8, _ =	vpop (xrf1)  }
0x28: {  	v9, v10, _ =	vpop @p0 (xrf1)  }
0x29: {  	v6 =	vpsel p0, v9, v6  }
0x2a: {  	v5 =	vpsel p0, v10, v5;
	vm2 =	vle.f32 v6, v7  }
0x2b: {  	v6 =	vsel vm2, v6, v7;
	v5 =	vsel vm2, v5, v8  }
0x2c: {  	(xrf1) =	vsort.dscd.msk.f32 $0xffff, v6, v5;
	_ =	sdelay $0xd  }
0x2d: {  	v6, v5, _ =	vpop (xrf1)  }
.LBB2_20:
0x2e: {  	(xrf1) =	vsort.ascd.msk.f32 $0xffff, v6, v5;
	_ =	sdelay $0x8  }
0x2f: {  	s15 =	sadd.s32 $0x1, s15  }
0x30: {  	p0 =	sne.s32 s15, $0x10  }
.Ltmp3:
0x31: {  	_ = 	snop;
	(pc) =	sbr.rel @!p0 .LBB2_21-.Ltmp3, $3  }
0x32: {  	_ =	sdelay $0x1  }
0x33: {  	_, v5, _ =	vpop (xrf1)  }
0x34: {  	[tilespmem:s16+$0x6A00] =	vst v5  }
.LBB2_2:
0x35: {  	s16 =	sshll.u32 s15, $0x7  }
0x36: {  	v5 =	vld [tilespmem:s16+$0x4000];
	_ =	sdelay $0x4  }
0x37: {  	(xrf1) =	vsort.ascd.msk.f32 $0xffff, v5, v5;
	v5 =	vld [tilespmem:s16+$0x4800];
	_ =	sdelay $0x4  }
0x38: {  	(xrf1) =	vsort.ascd.msk.f32 $0xffff, v5, v5;
	_ =	sdelay $0x2  }
0x39: {  	s17 =	sshll.u32 s15, $0xA  }
0x3a: {  	s18 =	sand.u32 $0x2000, s17;
	s19 =	sand.u32 $0x380, s16;
	s17 =	simm.s32 $0x0  }
0x3b: {  	s18 =	sor.u32 s19, s18;
	s31 =	sand.u32 $0x1C00, s17  }
0x3c: {  	s20 =	sand.u32 $0x70, s17;
	s19 =	sadd.s32 s31, s18  }
0x3d: {  	s19 =	sadd.s32 s20, s19  }
0x3e: {  	v7 =	vld [tilespmem:s19+$0x0];
	_ =	sdelay $0x1  }
0x3f: {  	p0 =	por $0x0, $0x0;
	vm2 =	vmmov vm0;
	v5, _, _ =	vpop (xrf1)  }
0x40: {  	vm2 =	vmneg @p0 vm2;
	v5 =	vperm.xlane v5, v0  }
0x41: {  	vm2 =	vmand vm2, vm1  }
0x42: {  	vm2 =	vmneg vm2;
	vm3 =	vge.f32 v7, v5  }
0x43: {  	vm3 =	vmand vm3, vm2;
	v6, _, _ =	vpop (xrf1)  }
0x44: {  	v8 =	vmpcnt.ones.xlane vm3;
	v6 =	vperm.xlane v6, v1;
	_ =	sdelay $0x1  }
0x45: {  	[tilespmem:s17+$0x5000] =	vst.msk vm3, v7;
	(v2sf) =	vpush v8, $0x0;
	v8 =	vor.u32 s17, v2;
	vm4 =	vle.f32 v7, v6  }
0x46: {  	[tilespmem:s17+$0x5480] =	vst.msk vm3, v8;
	vm2 =	vmand vm4, vm2  }
0x47: {  	[tilespmem:s17+$0x5900] =	vst.msk vm2, v7  }
0x48: {  	[tilespmem:s17+$0x5D80] =	vst.msk vm2, v8;
	v8 =	vmpcnt.ones.xlane vm2;
	_ =	sdelay $0x1  }
0x49: {  	s19 =	simm.s32 $0x80;
	(v2sf) =	vpush v8, $0x0  }
0x4a: {  	s20 =	simm.s32 $0x10;
	s21 =	sand.u32 $0x1C00, s19  }
0x4b: {  	s22 =	sand.u32 $0x70, s20;
	s21 =	sadd.s32 s21, s18  }
0x4c: {  	s21 =	sadd.s32 s22, s21  }
0x4d: {  	v7 =	vld [tilespmem:s21+$0x0];
	_ =	sdelay $0x1  }
0x4e: {  	p0 =	por $0x0, $0x0;
	vm3 =	vmmov vm0  }
0x4f: {  	vm3 =	vmneg @p0 vm3  }
0x50: {  	vm3 =	vmand vm3, vm1  }
0x51: {  	vm4 =	vmneg vm3;
	vm3 =	vge.f32 v7, v5  }
0x52: {  	vm3 =	vmand vm3, vm4  }
0x53: {  	vm2 =	vle.f32 v7, v6;
	v9 =	vmpcnt.ones.xlane vm3  }
0x54: {  	s23 =	simm.s32 $0x2;
	vm2 =	vmand vm2, vm4  }
0x55: {  	s22 =	simm.s32 $0x1;
	s21 =	simm.s32 $0x0;
	v8 =	vmpcnt.ones.xlane vm2;
	(v2sf) =	vpush v9, $0x0;
	s24 =	spop (v2sf)  }
.LBB2_3:
0x56: {  	s17 =	sadd.s32 s17, s24  }
0x57: {  	(v2sf) =	vpush v8, $0x0;
	s24 =	spop (v2sf);
	s25 =	smov.u32 s23;
	s26 =	sadd.s32 $0x1, s23  }
0x58: {  	p0 =	sne.s32 s23, $0x3F;
	v8 =	vor.u32 s22, v2;
	s19 =	sadd.s32 $0x80, s19;
	[tilespmem:s17+$0x5000] =	vst.msk vm3, v7;
	s21 =	sadd.s32 s21, s24  }
0x59: {  	s20 =	sadd.s32 $0x10, s20;
	s23 =	sand.u32 $0x1C00, s19;
	s22 =	smov.u32 s25;
	[tilespmem:s17+$0x5480] =	vst.msk vm3, v8  }
0x5a: {  	s24 =	sand.u32 $0x70, s20;
	s23 =	sadd.s32 s23, s18;
	[tilespmem:s21+$0x5900] =	vst.msk vm2, v7  }
0x5b: {  	s23 =	sadd.s32 s24, s23;
	[tilespmem:s21+$0x5D80] =	vst.msk vm2, v8  }
0x5c: {  	v7 =	vld [tilespmem:s23+$0x0];
	_ =	sdelay $0x1  }
0x5d: {  	p1 =	sgt.u32 s22, $0x27;
	vm2 =	vmmov vm0  }
0x5e: {  	vm2 =	vmneg @p1 vm2  }
0x5f: {  	vm2 =	vmand vm2, vm1  }
.Ltmp4:
0x60: {  	vm2 =	vmneg vm2;
	vm3 =	vge.f32 v7, v5;
	vm4 =	vle.f32 v7, v6;
	(pc) =	sbr.rel @p0 .LBB2_3-.Ltmp4, $3  }
0x61: {  	vm3 =	vmand vm3, vm2;
	vm2 =	vmand vm4, vm2  }
0x62: {  	v9 =	vmpcnt.ones.xlane vm3;
	v8 =	vmpcnt.ones.xlane vm2;
	_ =	sdelay $0x1  }
0x63: {  	s23 =	smov.u32 s26;
	(v2sf) =	vpush v9, $0x0;
	s24 =	spop (v2sf)  }
0x64: {  	_ = 	snop  }
0x65: {  	(v2sf) =	vpush v8, $0x0;
	_ =	sdelay $0x9  }
0x66: {  	s17 =	sadd.s32 s17, s24  }
0x67: {  	s18 =	spop (v2sf);
	v5 =	vor.u32 s22, v2;
	[tilespmem:s17+$0x5000] =	vst.msk vm3, v7  }
0x68: {  	s18 =	sadd.s32 s21, s18;
	[tilespmem:s17+$0x5480] =	vst.msk vm3, v5  }
0x69: {  	[tilespmem:s18+$0x5900] =	vst.msk vm2, v7;
	s19 =	spop (v2sf)  }
0x6a: {  	[tilespmem:s18+$0x5D80] =	vst.msk vm2, v5;
	s19 =	sadd.s32 s17, s19  }
0x6b: {  	s29 =	spop (v2sf);
	[tilespmem:s19+$0x5000] =	vst v3  }
0x6c: {  	s17 =	sadd.s32 s18, s29;
	[tilespmem:s19+$0x5480] =	vst v0  }
0x6d: {  	[tilespmem:s17+$0x5900] =	vst v4  }
0x6e: {  	[tilespmem:s17+$0x5D80] =	vst v0  }
0x6f: {  	v5 =	vld [tilespmem:$0x5000]  }
0x70: {  	v6 =	vld [tilespmem:$0x5480];
	_ =	sdelay $0x4  }
0x71: {  	(xrf1) =	vsort.ascd.msk.f32 $0xffff, v5, v6;
	_ =	sdelay $0x1  }
0x72: {  	s30 =	sadd.s32 $0xF, s19  }
0x73: {  	s19 =	sand.u32 $0xF, s30  }
0x74: {  	s20 =	sshra.s32 s30, $0x1F;
	p0 =	slt.s32 s30, $0x1;
	p1 =	sne.s32 s19, $0x0  }
0x75: {  	s31 =	sshrl.u32 s20, $0x1C;
	p0 =	por !p0, !p1  }
0x76: {  	s19 =	simm.s32 $0x1;
	s18 =	sadd.s32 s31, s30;
	p0 =	por !p0, !p0  }
0x77: {  	s18 =	sshra.s32 s18, $0x4;
	s19 =	simm.s32 @!p0 $0x0  }
0x78: {  	s19 =	ssub.s32 s18, s19  }
0x79: {  	p1 =	slt.s32 s19, $0x2  }
.Ltmp5:
0x7a: {  	_ = 	snop;
	(pc) =	sbr.rel @p1 .LBB2_12-.Ltmp5, $2  }
0x7b: {  	_ =	sdelay $0x2  }
0x7c: {  	v6, v5, _ =	vpop (xrf1)  }
0x7d: {  	s19 =	simm.s32 $0xFFFFFFFF  }
0x7e: {  	s19 =	simm.s32 @!p0 $0x0  }
0x7f: {  	s18 =	sadd.s32 s19, s18  }
0x80: {  	s18 =	sadd.s32 $0xFFFFFFFF, s18  }
0x81: {  	p2 =	sne.s32 s18, $0x1  }
.Ltmp6:
0x82: {  	_ = 	snop;
	(pc) =	sbr.rel @!p2 .LBB2_6-.Ltmp6, $4  }
0x83: {  	_ = 	snop  }
0x84: {  	s31 =	simm.s32 $0x5010  }
0x85: {  	s20 =	simm.s32 $0x5490;
	v7 =	vld [tilespmem:s31+$0x0]  }
0x86: {  	p1 =	por $0x0, $0x0;
	v8 =	vld [tilespmem:s20+$0x0];
	p0 =	por $0x0, $0x0;
	s18 =	sadd.s32 $0xFFFFFFFF, s18  }
0x87: {  	p2 =	sne.s32 s18, $0x1  }
.Ltmp7:
0x88: {  	_ = 	snop;
	(pc) =	sbr.rel @!p2 .LBB2_8-.Ltmp7, $4  }
0x89: {  	_ = 	snop  }
0x8a: {  	s19 =	simm.s32 $0x5020  }
0x8b: {  	s31 =	simm.s32 $0x54A0;
	(xrf1) =	vsort.dscd.msk.f32 $0xffff, v7, v8;
	v7 =	vld [tilespmem:s19+$0x0]  }
0x8c: {  	s20 =	sadd.s32 $0xFFFFFFFF, s18;
	p0 =	por $0x1, $0x1;
	v8 =	vld [tilespmem:s31+$0x0]  }
0x8d: {  	_ =	sdelay $0xb  }
0x8e: {  	v9, v10, _ =	vpop (xrf1)  }
0x8f: {  	vm2 =	vge.f32 v6, v9  }
0x90: {  	(xrf1) =	vsort.dscd.msk.f32 $0xffff, v7, v8;
	v8 =	vsel vm2, v6, v9;
	v9 =	vsel vm2, v5, v10  }
0x91: {  	(xrf1) =	vsort.ascd.msk.f32 $0xffff, v8, v9;
	_ =	sdelay $0x6  }
0x92: {  	p2 =	sne.s32 s20, $0x1  }
.Ltmp8:
0x93: {  	_ = 	snop;
	(pc) =	sbr.rel @!p2 .LBB2_11-.Ltmp8, $4  }
0x94: {  	s18 =	simm.s32 $0x5030  }
0x95: {  	s19 =	simm.s32 $0x54B0;
	v7 =	vld [tilespmem:s18+$0x0]  }
0x96: {  	v8 =	vld [tilespmem:s19+$0x0]  }
0x97: {  	s20 =	sadd.s32 $0xFFFFFFFF, s20;
	p1 =	por $0x1, $0x1  }
.LBB2_10:
0x98: {  	p2 =	sne.s32 s20, $0x1;
	v9, v10, _ =	vpop (xrf1)  }
0x99: {  	v12, v11, _ =	vpop (xrf1)  }
0x9a: {  	vm2 =	vge.f32 v12, v9  }
0x9b: {  	(xrf1) =	vsort.dscd.msk.f32 $0xffff, v7, v8;
	v7 =	vsel vm2, v12, v9;
	v8 =	vsel vm2, v11, v10  }
0x9c: {  	(xrf1) =	vsort.ascd.msk.f32 $0xffff, v7, v8;
	_ =	sdelay $0x7  }
.Ltmp9:
0x9d: {  	(pc) =	sbr.rel @p2 .LBB2_10-.Ltmp9, $4  }
0x9e: {  	s18 =	sadd.s32 $0x10, s18  }
0x9f: {  	s19 =	sadd.s32 $0x10, s19;
	v7 =	vld [tilespmem:s18+$0x0]  }
0xa0: {  	v8 =	vld [tilespmem:s19+$0x0]  }
0xa1: {  	s20 =	sadd.s32 $0xFFFFFFFF, s20  }
.LBB2_11:
0xa2: {  	v9, v10, _ =	vpop @p0 (xrf1)  }
0xa3: {  	v11, v12, _ =	vpop @p1 (xrf1)  }
0xa4: {  	v11 =	vpsel p1, v11, v6  }
0xa5: {  	v12 =	vpsel p1, v12, v5;
	vm2 =	vge.f32 @p0 v11, v9  }
0xa6: {  	(xrf1) =	vsort.dscd.msk.f32 $0xffff, v7, v8;
	v7 =	vsel @p0 vm2, v11, v9;
	v8 =	vsel @p0 vm2, v12, v10  }
0xa7: {  	(xrf1) =	vsort.ascd.msk.f32 @p0 $0xffff, v7, v8;
	_ =	sdelay $0xc  }
0xa8: {  	v7, v8, _ =	vpop (xrf1)  }
0xa9: {  	v9, v10, _ =	vpop @p0 (xrf1)  }
0xaa: {  	v6 =	vpsel p0, v9, v6  }
0xab: {  	v5 =	vpsel p0, v10, v5;
	vm2 =	vge.f32 v6, v7  }
0xac: {  	v6 =	vsel vm2, v6, v7;
	v5 =	vsel vm2, v5, v8  }
0xad: {  	(xrf1) =	vsort.ascd.msk.f32 $0xffff, v6, v5;
	_ =	sdelay $0xd  }
0xae: {  	v6, v5, _ =	vpop (xrf1)  }
.LBB2_12:
0xaf: {  	(xrf1) =	vsort.dscd.msk.f32 $0xffff, v6, v5;
	_ =	sdelay $0xd  }
0xb0: {  	_, v5, _ =	vpop (xrf1)  }
0xb1: {  	[tilespmem:s16+$0x6200] =	vst v5  }
0xb2: {  	v5 =	vld [tilespmem:$0x5900]  }
0xb3: {  	v6 =	vld [tilespmem:$0x5D80];
	_ =	sdelay $0x4  }
0xb4: {  	(xrf1) =	vsort.dscd.msk.f32 $0xffff, v5, v6;
	_ =	sdelay $0x1  }
0xb5: {  	s17 =	sadd.s32 $0xF, s17  }
0xb6: {  	s18 =	sand.u32 $0xF, s17  }
0xb7: {  	s31 =	sshra.s32 s17, $0x1F;
	p1 =	slt.s32 s17, $0x1;
	p0 =	sne.s32 s18, $0x0  }
0xb8: {  	s18 =	sshrl.u32 s31, $0x1C;
	p0 =	por !p1, !p0  }
0xb9: {  	s17 =	sadd.s32 s18, s17;
	s18 =	simm.s32 $0x1;
	p0 =	por !p0, !p0  }
0xba: {  	s17 =	sshra.s32 s17, $0x4;
	s18 =	simm.s32 @!p0 $0x0  }
0xbb: {  	s18 =	ssub.s32 s17, s18  }
0xbc: {  	p1 =	slt.s32 s18, $0x2  }
.Ltmp10:
0xbd: {  	_ = 	snop;
	(pc) =	sbr.rel @p1 .LBB2_20-.Ltmp10, $2  }
0xbe: {  	_ =	sdelay $0x2  }
0xbf: {  	v6, v5, _ =	vpop (xrf1)  }
0xc0: {  	s18 =	simm.s32 $0xFFFFFFFF  }
0xc1: {  	s18 =	simm.s32 @!p0 $0x0  }
0xc2: {  	s17 =	sadd.s32 s18, s17  }
0xc3: {  	s17 =	sadd.s32 $0xFFFFFFFF, s17  }
0xc4: {  	p2 =	sne.s32 s17, $0x1  }
.Ltmp11:
0xc5: {  	_ = 	snop;
	(pc) =	sbr.rel @!p2 .LBB2_14-.Ltmp11, $4  }
0xc6: {  	_ = 	snop  }
0xc7: {  	s31 =	simm.s32 $0x5910  }
0xc8: {  	s19 =	simm.s32 $0x5D90;
	v7 =	vld [tilespmem:s31+$0x0]  }
0xc9: {  	p1 =	por $0x0, $0x0;
	v8 =	vld [tilespmem:s19+$0x0];
	p0 =	por $0x0, $0x0;
	s17 =	sadd.s32 $0xFFFFFFFF, s17  }
0xca: {  	_ =	sdelay $0x3  }
0xcb: {  	(xrf1) =	vsort.ascd.msk.f32 $0xffff, v7, v8;
	_ =	sdelay $0x7  }
0xcc: {  	p2 =	sne.s32 s17, $0x1  }
.Ltmp12:
0xcd: {  	_ = 	snop;
	(pc) =	sbr.rel @!p2 .LBB2_16-.Ltmp12, $4  }
0xce: {  	_ = 	snop  }
0xcf: {  	s18 =	simm.s32 $0x5920  }
0xd0: {  	s31 =	simm.s32 $0x5DA0;
	v7 =	vld [tilespmem:s18+$0x0]  }
0xd1: {  	s19 =	sadd.s32 $0xFFFFFFFF, s17;
	p0 =	por $0x1, $0x1;
	v8 =	vld [tilespmem:s31+$0x0]  }
0xd2: {  	_ =	sdelay $0x1  }
0xd3: {  	v9, v10, _ =	vpop (xrf1)  }
0xd4: {  	vm2 =	vle.f32 v6, v9  }
0xd5: {  	(xrf1) =	vsort.ascd.msk.f32 $0xffff, v7, v8;
	v8 =	vsel vm2, v6, v9;
	v9 =	vsel vm2, v5, v10  }
0xd6: {  	(xrf1) =	vsort.dscd.msk.f32 $0xffff, v8, v9;
	_ =	sdelay $0x6  }
0xd7: {  	p2 =	sne.s32 s19, $0x1  }
.Ltmp13:
0xd8: {  	_ = 	snop;
	(pc) =	sbr.rel @!p2 .LBB2_19-.Ltmp13, $4  }
0xd9: {  	s17 =	simm.s32 $0x5930  }
0xda: {  	s18 =	simm.s32 $0x5DB0;
	v7 =	vld [tilespmem:s17+$0x0]  }
0xdb: {  	v8 =	vld [tilespmem:s18+$0x0]  }
0xdc: {  	s19 =	sadd.s32 $0xFFFFFFFF, s19;
	p1 =	por $0x1, $0x1  }
.LBB2_18:
0xdd: {  	p2 =	sne.s32 s19, $0x1;
	v9, v10, _ =	vpop (xrf1)  }
0xde: {  	v12, v11, _ =	vpop (xrf1)  }
0xdf: {  	vm2 =	vle.f32 v12, v9  }
0xe0: {  	(xrf1) =	vsort.ascd.msk.f32 $0xffff, v7, v8;
	v7 =	vsel vm2, v12, v9;
	v8 =	vsel vm2, v11, v10  }
0xe1: {  	(xrf1) =	vsort.dscd.msk.f32 $0xffff, v7, v8;
	_ =	sdelay $0x7  }
.Ltmp14:
0xe2: {  	(pc) =	sbr.rel @p2 .LBB2_18-.Ltmp14, $4  }
0xe3: {  	s17 =	sadd.s32 $0x10, s17  }
0xe4: {  	s18 =	sadd.s32 $0x10, s18;
	v7 =	vld [tilespmem:s17+$0x0]  }
0xe5: {  	v8 =	vld [tilespmem:s18+$0x0]  }
0xe6: {  	s19 =	sadd.s32 $0xFFFFFFFF, s19  }
.Ltmp15:
0xe7: {  	_ = 	snop;
	(pc) =	sbr.rel .LBB2_19-.Ltmp15, $1  }
0xe8: {  	_ =	sdelay $0x3  }
.LBB2_6:
.Ltmp16:
0xe9: {  	(pc) =	sbr.rel .LBB2_11-.Ltmp16, $2  }
0xea: {  	_ =	sdelay $0x2  }
0xeb: {  	_ = 	snop  }
.LBB2_8:
.Ltmp17:
0xec: {  	(pc) =	sbr.rel .LBB2_11-.Ltmp17, $2  }
0xed: {  	_ =	sdelay $0x2  }
0xee: {  	_ = 	snop  }
.LBB2_16:
.Ltmp18:
0xef: {  	(pc) =	sbr.rel .LBB2_19-.Ltmp18, $2  }
0xf0: {  	_ =	sdelay $0x2  }
0xf1: {  	_ = 	snop  }
.LBB2_22:
0xf2: {  	_ =	sfence.sel $0x180000  }
0xf3: {  	[bflag:$0x0] =	sbarrier.arrive $0xFFFF  }
0xf4: {  	p0 =	sne.s32 s1, $0x0;
	_ =	strace $0x9000004A  }
0xf5: {  	s0 =	sadd.s32 @!p0 $0x100000, s0;
	[bflag:$0x2] =	sbarrier.arrive $0xFFFF  }
0xf6: {  	[sflag:s0] =	ssyncadd.tile.s32 @!p0 $0x1;
	_ =	shalt  }
.Lfunc_end2:
_tile_overlayer_lowered:
.L_overlay_start_2:
0xf7: {  	(tag) =	ssettag $0x2  }
0xf8: {  	s0 =	rddreg [dreg:$0x0];
	s2 =	stileid.u32  }
0xf9: {  	s1 =	rddreg [dreg:$0x1];
	p0 =	sne.s32 s2, $0x0  }
0xfa: {  	s3 =	rddreg [dreg:$0x2];
	[bflag:$0x3] =	sbarrier.arrive $0xFFFF;
	s2 =	simm.s32 @!p0 $0x1C01  }
0xfb: {  	[timem:s3], [sflag:s2] =	dma.local @!p0 [hbm:s0], s1  }
0xfc: {  	s0 =	simm.s32 @!p0 $0x1  }
0xfd: {  	_ =	swait.ge @!p0 [sflag:s0], s1  }
0xfe: {  	s1 =	ssub.s32 @!p0 $0x0, s1;
	[sflag:s0] =	ssyncset.done @!p0 $0x0  }
0xff: {  	[sflag:s0] =	ssyncadd.s32 @!p0 s1  }
0x100: {  	[bflag:$0x3] =	sbarrier.arrive $0xFFFF  }
0x101: {  	_ =	shalt  }

// kernel: kernel.9.cloned.1.call-start
scs
__scs_entry_jumppad:
0x0: {  	(pc) =	sbr.rel $0x88, $3  }
0x1: {  	(tag) =	ssettag $0x0;
	lr =	simm.s32 $0x1  }
0x2: {  	[smem:$0x3F9C] =	sst lr;
	_ =	strace $0xD0000000  }
0x3: {  	_ = 	snop  }
0x4: {  	_ = 	snop  }
0x5: {  	_ = 	snop  }
0x6: {  	_ = 	snop  }
0x7: {  	_ = 	snop  }
__scs_overlays_trampoline_lowered:
0x8: {  	[smem:$0x3FAB] =	sst s0  }
0x9: {  	[smem:$0x3FAC] =	sst s1  }
0xa: {  	[smem:$0x3FAD] =	sst s2  }
0xb: {  	[smem:$0x3FAE] =	sst s3  }
0xc: {  	[smem:$0x3FAF] =	sst s4  }
0xd: {  	[smem:$0x3FB0] =	sst s5  }
0xe: {  	[smem:$0x3FB1] =	sst s6  }
0xf: {  	[smem:$0x3FB2] =	sst s7  }
0x10: {  	[smem:$0x3FB3] =	sst s8  }
0x11: {  	[smem:$0x3FB4] =	sst s9;
	s0 =	simm.s32 @!p0 $0x0  }
0x12: {  	s1 =	sld [smem:$0x3F9A];
	s0 =	simm.s32 @p0 $0x1  }
0x13: {  	[smem:$0x3FB5] =	sst s0;
	s0 =	simm.s32 @!p1 $0x0  }
0x14: {  	s2 =	sld [smem:$0x3F99];
	s0 =	simm.s32 @p1 $0x1  }
0x15: {  	[smem:$0x3FB6] =	sst s0;
	s0 =	simm.s32 @!p2 $0x0  }
0x16: {  	s3 =	sld [smem:$0x3FDB];
	s0 =	simm.s32 @p2 $0x1  }
0x17: {  	s4 =	simm.s32 $0x1BF5;
	[smem:$0x3FB8] =	sst s0  }
0x18: {  	s0 =	sld [smem:$0x3F9B];
	_ =	swait.ge [sflag:s4], $0x0  }
0x19: {  	s7 =	sld [smem:$0x3F9C]  }
0x1a: {  	s8 =	sadd.s32 $0xFFFFE003, lr  }
0x1b: {  	s9 =	sadd.s32 $0xFFFFFEF7, lr;
	s5 =	simm.s32 $0xFFFFFFFF;
	p2 =	slt.u32 s8, $0xFFFFF086  }
0x1c: {  	p1 =	slt.u32 s9, $0xF7A;
	s5 =	simm.s32 @!p2 $0x0  }
0x1d: {  	s5 =	simm.s32 @p1 $0x1;
	p0 =	seq.s32 s7, s2  }
0x1e: {  	s7 =	smul.u32 @!p0 $0xF7A, s2;
	p2 =	seq.s32 @!p0 s5, $0x0  }
0x1f: {  	s9 =	smul.u32 $0xF7A, s1;
	s8 =	simm.s32 @!p0 $0x1BF5;
	p2 =	por !p2, p0  }
0x20: {  	[sflag:s8] =	ssyncset.s32 @!p0 $0xFFFFF086;
	s6 =	sadd.s32 @!p0 s3, s7;
	s7 =	simm.s32 @!p0 $0x108  }
0x21: {  	s3 =	sadd.s32 s3, s9;
	s6 =	sadd.s32 @!p0 $0x88, s6;
	s7 =	simm.s32 @p2 $0x1082  }
0x22: {  	[simem:s7], [sflag:s8] =	dma.local @!p0 [hbm:s6], $0xF7A  }
0x23: {  	s9 =	sor.u32 $0xD0000000, s2;
	s6 =	simm.s32 $0x108;
	_ =	swait.ge @!p0 [sflag:s8], $0x0  }
0x24: {  	s3 =	sadd.s32 $0x88, s3;
	s6 =	simm.s32 @!p1 $0x1082;
	[sflag:s4] =	ssyncset.s32 $0xFFFFF086  }
0x25: {  	[simem:s6], [sflag:s4] =	dma.local [hbm:s3], $0xF7A  }
0x26: {  	[smem:$0x3F9C] =	sst s1;
	(tag) =	ssettag s2;
	_ =	strace s9  }
0x27: {  	s1 =	sld [smem:$0x3FAC]  }
0x28: {  	s2 =	sld [smem:$0x3FAD]  }
0x29: {  	s4 =	sld [smem:$0x3FAF]  }
0x2a: {  	p0 =	seq.s32 s5, $0x0;
	s5 =	sld [smem:$0x3FB0]  }
0x2b: {  	s6 =	sld [smem:$0x3FB1]  }
0x2c: {  	s7 =	sld [smem:$0x3FB2]  }
0x2d: {  	s3 =	simm.s32 $0x108;
	s8 =	sld [smem:$0x3FB3]  }
0x2e: {  	s3 =	simm.s32 @!p0 $0x1082;
	s9 =	sld [smem:$0x3FB4]  }
0x2f: {  	lr =	sadd.s32 s0, s3;
	s0 =	sld [smem:$0x3FAB]  }
0x30: {  	s3 =	sld [smem:$0x3FAE]  }
0x31: {  	[smem:$0x3FB7] =	sst s10  }
0x32: {  	s10 =	sld [smem:$0x3FB5];
	_ =	sdelay $0x3  }
0x33: {  	p0 =	seq.s32 s10, $0x1;
	s10 =	sld [smem:$0x3FB7];
	_ =	sdelay $0x3  }
0x34: {  	[smem:$0x3FB7] =	sst s10  }
0x35: {  	s10 =	sld [smem:$0x3FB6];
	_ =	sdelay $0x3  }
0x36: {  	p1 =	seq.s32 s10, $0x1;
	s10 =	sld [smem:$0x3FB7];
	_ =	sdelay $0x3  }
0x37: {  	[smem:$0x3FB7] =	sst s10  }
0x38: {  	s10 =	sld [smem:$0x3FB8]  }
0x39: {  	_ = 	snop;
	(pc) =	sbr.ind lr, $3  }
0x3a: {  	_ = 	snop  }
0x3b: {  	_ = 	snop  }
0x3c: {  	p2 =	seq.s32 s10, $0x1;
	s10 =	sld [smem:$0x3FB7]  }
0x3d: {  	_ =	shalt  }
0x3e: {  	_ =	shalt  }
0x3f: {  	_ =	shalt  }
0x40: {  	_ =	shalt  }
0x41: {  	_ =	shalt  }
0x42: {  	_ =	shalt  }
0x43: {  	_ =	shalt  }
0x44: {  	_ =	shalt  }
0x45: {  	_ =	shalt  }
0x46: {  	_ =	shalt  }
0x47: {  	_ =	shalt  }
0x48: {  	_ =	shalt  }
0x49: {  	_ =	shalt  }
0x4a: {  	_ =	shalt  }
0x4b: {  	_ =	shalt  }
0x4c: {  	_ =	shalt  }
0x4d: {  	_ =	shalt  }
0x4e: {  	_ =	shalt  }
0x4f: {  	_ =	shalt  }
0x50: {  	_ =	shalt  }
0x51: {  	_ =	shalt  }
0x52: {  	_ =	shalt  }
0x53: {  	_ =	shalt  }
0x54: {  	_ =	shalt  }
0x55: {  	_ =	shalt  }
0x56: {  	_ =	shalt  }
0x57: {  	_ =	shalt  }
0x58: {  	_ =	shalt  }
0x59: {  	_ =	shalt  }
0x5a: {  	_ =	shalt  }
0x5b: {  	_ =	shalt  }
0x5c: {  	_ =	shalt  }
0x5d: {  	_ =	shalt  }
0x5e: {  	_ =	shalt  }
0x5f: {  	_ =	shalt  }
0x60: {  	_ =	shalt  }
0x61: {  	_ =	shalt  }
0x62: {  	_ =	shalt  }
0x63: {  	_ =	shalt  }
0x64: {  	_ =	shalt  }
0x65: {  	_ =	shalt  }
0x66: {  	_ =	shalt  }
0x67: {  	_ =	shalt  }
0x68: {  	_ =	shalt  }
0x69: {  	_ =	shalt  }
0x6a: {  	_ =	shalt  }
0x6b: {  	_ =	shalt  }
0x6c: {  	_ =	shalt  }
0x6d: {  	_ =	shalt  }
0x6e: {  	_ =	shalt  }
0x6f: {  	_ =	shalt  }
0x70: {  	_ =	shalt  }
0x71: {  	_ =	shalt  }
0x72: {  	_ =	shalt  }
0x73: {  	_ =	shalt  }
0x74: {  	_ =	shalt  }
0x75: {  	_ =	shalt  }
0x76: {  	_ =	shalt  }
0x77: {  	_ =	shalt  }
0x78: {  	_ =	shalt  }
0x79: {  	_ =	shalt  }
0x7a: {  	_ =	shalt  }
0x7b: {  	_ =	shalt  }
0x7c: {  	_ =	shalt  }
0x7d: {  	_ =	shalt  }
0x7e: {  	_ =	shalt  }
0x7f: {  	_ =	shalt  }
0x80: {  	_ =	shalt  }
0x81: {  	_ =	shalt  }
0x82: {  	_ =	shalt  }
0x83: {  	_ =	shalt  }
0x84: {  	_ =	shalt  }
0x85: {  	_ =	shalt  }
0x86: {  	_ =	shalt  }
0x87: {  	_ =	shalt  }
.Lfunc_end0:
.L_simem_size_0:
called_computation.1_lowered:
.L_overlay_start_0:
0x88: {  	s2 =	sld [smem:$0x3FD9]  }
0x89: {  	s3 =	sld [smem:$0x3FFE];
	_ =	sdelay $0x1  }
0x8a: {  	s1 =	srdreg.scid  }
0x8b: {  	s0 =	sand.u32 $0x1, s1  }
0x8c: {  	s16 =	sshll.u32 s0, $0xA;
	s2 =	sadd.s32 s3, s2  }
0x8d: {  	s2 =	sadd.s32 s2, s16  }
0x8e: {  	[smem:$0x3FC3] =	sst s2  }
0x8f: {  	_ = 	snop  }
0x90: {  	(tm) =	ssettm $0x1  }
0x91: {  	s17 =	sld [smem:$0x3FFB];
	_ =	sdelay $0x3  }
0x92: {  	_ =	strace s17  }
0x93: {  	s2 =	sld [smem:$0x3FFC];
	_ =	sdelay $0x3  }
0x94: {  	_ =	strace s2  }
0x95: {  	s2 =	sld [smem:$0x3FFD];
	_ =	sdelay $0x3  }
0x96: {  	_ =	strace s2  }
0x97: {  	_ =	strace $0x8FFFFFFF  }
0x98: {  	s18 =	sld [smem:$0x3FDB];
	_ =	sdelay $0x1  }
0x99: {  	s19 =	simm.s32 $_scs_section_size  }
0x9a: {  	s4 =	simm.s32 $_size__tile_overlayer_lowered;
	s5 =	simm.s32 $_tile_overlayer_lowered  }
0x9b: {  	s22 =	simm.s32 $0x1BFF;
	s21 =	sshll.u32 s5, $0x1;
	s2 =	sadd.s32 s19, s18  }
0x9c: {  	s6 =	simm.s32 $0x0;
	s20 =	sshll.u32 s4, $0x1;
	s4 =	sadd.s32 s21, s2  }
0x9d: {  	[timem:s6], [sflag:s22] =	dma.local [hbm:s4], s20  }
0x9e: {  	_ =	swait.ge [sflag:s22], s20  }
0x9f: {  	s3 =	ssub.s32 $0x0, s20;
	[sflag:s22] =	ssyncset.done $0x0  }
0xa0: {  	[sflag:s22] =	ssyncadd.s32 s3;
	_ =	sdelay $0x1  }
0xa1: {  	s23 =	simm.s32 $0x1B8B  }
0xa2: {  	_ =	swait.ge [sflag:s23], $0x1  }
0xa3: {  	[sflag:s23] =	ssyncset.done $0x0  }
0xa4: {  	s25 =	simm.s32 $0x1B8E;
	s24 =	sld [smem:$0x3FFE];
	[sflag:s23] =	ssyncadd.s32 $0xFFFFFFFF  }
0xa5: {  	s26 =	simm.s32 $execute0_lowered;
	[smem:$0x3FD2] =	sst s25  }
0xa6: {  	s4 =	sshll.u32 s26, $0x1;
	_ =	strace $0x80000046;
	[dreg:$0x1] =	wrdreg $0xFFFFFFFF  }
0xa7: {  	s28 =	simm.s32 $_size_execute0_lowered;
	s2 =	sadd.s32 s2, s4;
	[dreg:$0x0] =	wrdreg $0x0  }
0xa8: {  	s4 =	sshll.u32 s28, $0x1;
	[dreg:$0x2] =	wrdreg s2  }
0xa9: {  	[dreg:$0x3] =	wrdreg s4  }
0xaa: {  	[dreg:$0x4] =	wrdreg $0xC0  }
0xab: {  	_ =	task [dreg:s6], $0x5FFFF  }
0xac: {  	[dreg:$0x1] =	wrdreg $0xFFFFFFFF  }
0xad: {  	[dreg:$0x0] =	wrdreg $0x60  }
0xae: {  	[dreg:$0x2] =	wrdreg s24  }
0xaf: {  	[dreg:$0x3] =	wrdreg $0xA  }
0xb0: {  	_ =	task.clear_ibuf [dreg:s6], $0x4FFFF;
	_ =	strace $0x90000046  }
0xb1: {  	s29 =	simm.s32 $0xA;
	_ =	strace $0x80000048  }
0xb2: {  	_ =	swait.ge [sflag:s29], $0x1  }
0xb3: {  	[sflag:s29] =	ssyncadd.s32 $0xFFFFFFFF  }
0xb4: {  	_ =	strace $0x90000048  }
0xb5: {  	_ =	sfence  }
0xb6: {  	s30 =	sld [smem:$0x0];
	_ =	sdelay $0x2  }
0xb7: {  	s31 =	sshll.u32 s1, $0xD;
	s1 =	sshrl.u32 s1, $0x2  }
0xb8: {  	s3 =	sand.u32 $0x4000, s31;
	s1 =	sadd.s32 s1, s30  }
0xb9: {  	s0 =	sor.u32 s3, s0;
	s1 =	sshll.u32 s1, $0x11  }
0xba: {  	s0 =	sor.u32 s1, s0  }
0xbb: {  	s0 =	sadd.s32 $0x8F2B, s0  }
0xbc: {  	[sflag:s0] =	ssyncadd.remote.s32 $0x1  }
0xbd: {  	_ =	sfence.sel $0xFFFF  }
0xbe: {  	[dreg:$0x0] =	wrdreg $0xFFFFFFFF;
	(pc) =	sbr.abs _section_cstart, $3  }
0xbf: {  	[dreg:$0x1] =	wrdreg $0xFFFFFFFF  }
0xc0: {  	_ =	task.clear_ibuf [dreg:s6], $0x2FFFF;
	_ =	strace $0x9FFFFFFF  }
0xc1: {  	(tm) =	ssettm $0x7FFFFFFF  }
tec
execute0_lowered:
.L_overlay_start_1:
0x0: {  	(tag) =	ssettag $0x1  }
0x1: {  	s3 =	rddreg [dreg:$0x0]  }
0x2: {  	s0 =	rddreg [dreg:$0x1];
	s4 =	srdreg.scid;
	s2 =	simm.s32 $0x0  }
0x3: {  	s1 =	stileid.u32;
	s10 =	simm.s32 $0x4000;
	s11 =	simm.s32 $0x4800  }
0x4: {  	s12 =	simm.s32 $0x6200;
	s13 =	simm.s32 $0x6A00;
	s4 =	sand.u32 $0x1, s4  }
0x5: {  	[smem:$0x7FF] =	sst s2;
	s5 =	sshll.u32 s1, $0x5;
	s6 =	sshll.u32 s4, $0x4  }
0x6: {  	s14 =	simm.s32 $0x0;
	_ =	strace $0x80000047;
	s5 =	sor.u32 s6, s5  }
.Ltmp0:
0x7: {  	s4 =	ssub.s32 $0x2, s4;
	s6 =	sshll.u32 s5, $0x7;
	(pc) =	sbr.rel .LBB2_1-.Ltmp0, $4  }
0x8: {  	s7 =	sshrl.u32 s4, $0x1;
	s5 =	sshll.u32 s5, $0x4;
	s6 =	sadd.s32 s6, s3  }
0x9: {  	v0 =	vimm.s32 $0x0;
	v1 =	vimm.s32 $0xF;
	s9 =	ssub.s32 s4, s7;
	s8 =	sadd.s32 s5, s3;
	s3 =	sadd.s32 $0x2800, s6  }
0xa: {  	vm0 =	vmxor vm0, vm0;
	vm1 =	vcmask $0x3F3C;
	v2 =	vlaneseq.u32;
	s4 =	sadd.s32 $0x12800, s8;
	s5 =	sadd.s32 $0x14800, s8;
	s6 =	sadd.s32 $0x16800, s8  }
0xb: {  	v3 =	vimm.f32 $-Inf;
	v4 =	vimm.f32 $+Inf;
	v2 =	vmul.u32 $0x40, v2;
	s7 =	sadd.s32 $0x18800, s8;
	s8 =	smax.u32 s9, $0x1;
	s9 =	simm.s32 $0x1  }
.LBB2_21:
0xc: {  	[hbm4b:s6+s2] =	stream.linear.scatter [tilespmem:s12], [sflag:$0x1], $0x800, $0x38;
	[tilespmem:$0x7200] =	vst v63  }
0xd: {  	s14 =	sadd.s32 $0x1, s14;
	_ =	swait.ge [sflag:s9], $0x800  }
0xe: {  	p0 =	sne.s32 s14, s8;
	[sflag:s9] =	ssyncset.done $0x0  }
.Ltmp1:
0xf: {  	[sflag:s9] =	ssyncadd.s32 $0xFFFFF800;
	(pc) =	sbr.rel @!p0 .LBB2_22-.Ltmp1, $4  }
0x10: {  	[hbm4b:s7+s2] =	stream.linear.scatter [tilespmem:s13], [sflag:$0x1], $0x800, $0x38;
	[tilespmem:$0x7200] =	vst v63  }
0x11: {  	_ =	swait.ge [sflag:s9], $0x800  }
0x12: {  	[sflag:s9] =	ssyncset.done $0x0  }
0x13: {  	[sflag:s9] =	ssyncadd.s32 $0xFFFFF800  }
.LBB2_1:
0x14: {  	[tilespmem:s2], [sflag:$0x1] =	stream.linear.gather [hbm4b:s3+s2], $0x4000, $0x38;
	[tilespmem:$0x7200] =	vst v63  }
0x15: {  	_ =	swait.ge [sflag:s9], $0x4000  }
0x16: {  	[sflag:s9] =	ssyncset.done $0x0  }
0x17: {  	[sflag:s9] =	ssyncadd.s32 $0xFFFFC000  }
0x18: {  	[tilespmem:s10], [sflag:$0x1] =	stream.linear.gather [hbm4b:s4+s2], $0x800, $0x38;
	[tilespmem:$0x7200] =	vst v63  }
0x19: {  	_ =	swait.ge [sflag:s9], $0x800  }
0x1a: {  	[sflag:s9] =	ssyncset.done $0x0  }
.Ltmp2:
0x1b: {  	[sflag:s9] =	ssyncadd.s32 $0xFFFFF800;
	(pc) =	sbr.rel .LBB2_2-.Ltmp2, $4  }
0x1c: {  	[tilespmem:s11], [sflag:$0x1] =	stream.linear.gather [hbm4b:s5+s2], $0x800, $0x38;
	[tilespmem:$0x7200] =	vst v63  }
0x1d: {  	_ =	swait.ge [sflag:s9], $0x800  }
0x1e: {  	[sflag:s9] =	ssyncset.done $0x0  }
0x1f: {  	s15 =	simm.s32 $0x0;
	[sflag:s9] =	ssyncadd.s32 $0xFFFFF800  }
.LBB2_14:
0x20: {  	_ = 	snop  }
.LBB2_19:
0x21: {  	v9, v10, _ =	vpop @p0 (xrf1)  }
0x22: {  	v11, v12, _ =	vpop @p1 (xrf1)  }
0x23: {  	v11 =	vpsel p1, v11, v6  }
0x24: {  	v12 =	vpsel p1, v12, v5;
	vm2 =	vle.f32 @p0 v11, v9  }
0x25: {  	(xrf1) =	vsort.ascd.msk.f32 $0xffff, v7, v8;
	v7 =	vsel @p0 vm2, v11, v9;
	v8 =	vsel @p0 vm2, v12, v10  }
0x26: {  	(xrf1) =	vsort.dscd.msk.f32 @p0 $0xffff, v7, v8;
	_ =	sdelay $0xc  }
0x27: {  	v7, v8, _ =	vpop (xrf1)  }
0x28: {  	v9, v10, _ =	vpop @p0 (xrf1)  }
0x29: {  	v6 =	vpsel p0, v9, v6  }
0x2a: {  	v5 =	vpsel p0, v10, v5;
	vm2 =	vle.f32 v6, v7  }
0x2b: {  	v6 =	vsel vm2, v6, v7;
	v5 =	vsel vm2, v5, v8  }
0x2c: {  	(xrf1) =	vsort.dscd.msk.f32 $0xffff, v6, v5;
	_ =	sdelay $0xd  }
0x2d: {  	v6, v5, _ =	vpop (xrf1)  }
.LBB2_20:
0x2e: {  	(xrf1) =	vsort.ascd.msk.f32 $0xffff, v6, v5;
	_ =	sdelay $0x8  }
0x2f: {  	s15 =	sadd.s32 $0x1, s15  }
0x30: {  	p0 =	sne.s32 s15, $0x10  }
.Ltmp3:
0x31: {  	_ = 	snop;
	(pc) =	sbr.rel @!p0 .LBB2_21-.Ltmp3, $3  }
0x32: {  	_ =	sdelay $0x1  }
0x33: {  	_, v5, _ =	vpop (xrf1)  }
0x34: {  	[tilespmem:s16+$0x6A00] =	vst v5  }
.LBB2_2:
0x35: {  	s16 =	sshll.u32 s15, $0x7  }
0x36: {  	v5 =	vld [tilespmem:s16+$0x4000];
	_ =	sdelay $0x4  }
0x37: {  	(xrf1) =	vsort.ascd.msk.f32 $0xffff, v5, v5;
	v5 =	vld [tilespmem:s16+$0x4800];
	_ =	sdelay $0x4  }
0x38: {  	(xrf1) =	vsort.ascd.msk.f32 $0xffff, v5, v5;
	_ =	sdelay $0x2  }
0x39: {  	s17 =	sshll.u32 s15, $0xA  }
0x3a: {  	s18 =	sand.u32 $0x2000, s17;
	s19 =	sand.u32 $0x380, s16;
	s17 =	simm.s32 $0x0  }
0x3b: {  	s18 =	sor.u32 s19, s18;
	s31 =	sand.u32 $0x1C00, s17  }
0x3c: {  	s20 =	sand.u32 $0x70, s17;
	s19 =	sadd.s32 s31, s18  }
0x3d: {  	s19 =	sadd.s32 s20, s19  }
0x3e: {  	v7 =	vld [tilespmem:s19+$0x0];
	_ =	sdelay $0x1  }
0x3f: {  	p0 =	por $0x0, $0x0;
	vm2 =	vmmov vm0;
	v5, _, _ =	vpop (xrf1)  }
0x40: {  	vm2 =	vmneg @p0 vm2;
	v5 =	vperm.xlane v5, v0  }
0x41: {  	vm2 =	vmand vm2, vm1  }
0x42: {  	vm2 =	vmneg vm2;
	vm3 =	vge.f32 v7, v5  }
0x43: {  	vm3 =	vmand vm3, vm2;
	v6, _, _ =	vpop (xrf1)  }
0x44: {  	v8 =	vmpcnt.ones.xlane vm3;
	v6 =	vperm.xlane v6, v1;
	_ =	sdelay $0x1  }
0x45: {  	[tilespmem:s17+$0x5000] =	vst.msk vm3, v7;
	(v2sf) =	vpush v8, $0x0;
	v8 =	vor.u32 s17, v2;
	vm4 =	vle.f32 v7, v6  }
0x46: {  	[tilespmem:s17+$0x5480] =	vst.msk vm3, v8;
	vm2 =	vmand vm4, vm2  }
0x47: {  	[tilespmem:s17+$0x5900] =	vst.msk vm2, v7  }
0x48: {  	[tilespmem:s17+$0x5D80] =	vst.msk vm2, v8;
	v8 =	vmpcnt.ones.xlane vm2;
	_ =	sdelay $0x1  }
0x49: {  	s19 =	simm.s32 $0x80;
	(v2sf) =	vpush v8, $0x0  }
0x4a: {  	s20 =	simm.s32 $0x10;
	s21 =	sand.u32 $0x1C00, s19  }
0x4b: {  	s22 =	sand.u32 $0x70, s20;
	s21 =	sadd.s32 s21, s18  }
0x4c: {  	s21 =	sadd.s32 s22, s21  }
0x4d: {  	v7 =	vld [tilespmem:s21+$0x0];
	_ =	sdelay $0x1  }
0x4e: {  	p0 =	por $0x0, $0x0;
	vm3 =	vmmov vm0  }
0x4f: {  	vm3 =	vmneg @p0 vm3  }
0x50: {  	vm3 =	vmand vm3, vm1  }
0x51: {  	vm4 =	vmneg vm3;
	vm3 =	vge.f32 v7, v5  }
0x52: {  	vm3 =	vmand vm3, vm4  }
0x53: {  	vm2 =	vle.f32 v7, v6;
	v9 =	vmpcnt.ones.xlane vm3  }
0x54: {  	s23 =	simm.s32 $0x2;
	vm2 =	vmand vm2, vm4  }
0x55: {  	s22 =	simm.s32 $0x1;
	s21 =	simm.s32 $0x0;
	v8 =	vmpcnt.ones.xlane vm2;
	(v2sf) =	vpush v9, $0x0;
	s24 =	spop (v2sf)  }
.LBB2_3:
0x56: {  	s17 =	sadd.s32 s17, s24  }
0x57: {  	(v2sf) =	vpush v8, $0x0;
	s24 =	spop (v2sf);
	s25 =	smov.u32 s23;
	s26 =	sadd.s32 $0x1, s23  }
0x58: {  	p0 =	sne.s32 s23, $0x3F;
	v8 =	vor.u32 s22, v2;
	s19 =	sadd.s32 $0x80, s19;
	[tilespmem:s17+$0x5000] =	vst.msk vm3, v7;
	s21 =	sadd.s32 s21, s24  }
0x59: {  	s20 =	sadd.s32 $0x10, s20;
	s23 =	sand.u32 $0x1C00, s19;
	s22 =	smov.u32 s25;
	[tilespmem:s17+$0x5480] =	vst.msk vm3, v8  }
0x5a: {  	s24 =	sand.u32 $0x70, s20;
	s23 =	sadd.s32 s23, s18;
	[tilespmem:s21+$0x5900] =	vst.msk vm2, v7  }
0x5b: {  	s23 =	sadd.s32 s24, s23;
	[tilespmem:s21+$0x5D80] =	vst.msk vm2, v8  }
0x5c: {  	v7 =	vld [tilespmem:s23+$0x0];
	_ =	sdelay $0x1  }
0x5d: {  	p1 =	sgt.u32 s22, $0x27;
	vm2 =	vmmov vm0  }
0x5e: {  	vm2 =	vmneg @p1 vm2  }
0x5f: {  	vm2 =	vmand vm2, vm1  }
.Ltmp4:
0x60: {  	vm2 =	vmneg vm2;
	vm3 =	vge.f32 v7, v5;
	vm4 =	vle.f32 v7, v6;
	(pc) =	sbr.rel @p0 .LBB2_3-.Ltmp4, $3  }
0x61: {  	vm3 =	vmand vm3, vm2;
	vm2 =	vmand vm4, vm2  }
0x62: {  	v9 =	vmpcnt.ones.xlane vm3;
	v8 =	vmpcnt.ones.xlane vm2;
	_ =	sdelay $0x1  }
0x63: {  	s23 =	smov.u32 s26;
	(v2sf) =	vpush v9, $0x0;
	s24 =	spop (v2sf)  }
0x64: {  	_ = 	snop  }
0x65: {  	(v2sf) =	vpush v8, $0x0;
	_ =	sdelay $0x9  }
0x66: {  	s17 =	sadd.s32 s17, s24  }
0x67: {  	s18 =	spop (v2sf);
	v5 =	vor.u32 s22, v2;
	[tilespmem:s17+$0x5000] =	vst.msk vm3, v7  }
0x68: {  	s18 =	sadd.s32 s21, s18;
	[tilespmem:s17+$0x5480] =	vst.msk vm3, v5  }
0x69: {  	[tilespmem:s18+$0x5900] =	vst.msk vm2, v7;
	s19 =	spop (v2sf)  }
0x6a: {  	[tilespmem:s18+$0x5D80] =	vst.msk vm2, v5;
	s19 =	sadd.s32 s17, s19  }
0x6b: {  	s29 =	spop (v2sf);
	[tilespmem:s19+$0x5000] =	vst v3  }
0x6c: {  	s17 =	sadd.s32 s18, s29;
	[tilespmem:s19+$0x5480] =	vst v0  }
0x6d: {  	[tilespmem:s17+$0x5900] =	vst v4  }
0x6e: {  	[tilespmem:s17+$0x5D80] =	vst v0  }
0x6f: {  	v5 =	vld [tilespmem:$0x5000]  }
0x70: {  	v6 =	vld [tilespmem:$0x5480];
	_ =	sdelay $0x4  }
0x71: {  	(xrf1) =	vsort.ascd.msk.f32 $0xffff, v5, v6;
	_ =	sdelay $0x1  }
0x72: {  	s30 =	sadd.s32 $0xF, s19  }
0x73: {  	s19 =	sand.u32 $0xF, s30  }
0x74: {  	s20 =	sshra.s32 s30, $0x1F;
	p0 =	slt.s32 s30, $0x1;
	p1 =	sne.s32 s19, $0x0  }
0x75: {  	s31 =	sshrl.u32 s20, $0x1C;
	p0 =	por !p0, !p1  }
0x76: {  	s19 =	simm.s32 $0x1;
	s18 =	sadd.s32 s31, s30;
	p0 =	por !p0, !p0  }
0x77: {  	s18 =	sshra.s32 s18, $0x4;
	s19 =	simm.s32 @!p0 $0x0  }
0x78: {  	s19 =	ssub.s32 s18, s19  }
0x79: {  	p1 =	slt.s32 s19, $0x2  }
.Ltmp5:
0x7a: {  	_ = 	snop;
	(pc) =	sbr.rel @p1 .LBB2_12-.Ltmp5, $2  }
0x7b: {  	_ =	sdelay $0x2  }
0x7c: {  	v6, v5, _ =	vpop (xrf1)  }
0x7d: {  	s19 =	simm.s32 $0xFFFFFFFF  }
0x7e: {  	s19 =	simm.s32 @!p0 $0x0  }
0x7f: {  	s18 =	sadd.s32 s19, s18  }
0x80: {  	s18 =	sadd.s32 $0xFFFFFFFF, s18  }
0x81: {  	p2 =	sne.s32 s18, $0x1  }
.Ltmp6:
0x82: {  	_ = 	snop;
	(pc) =	sbr.rel @!p2 .LBB2_6-.Ltmp6, $4  }
0x83: {  	_ = 	snop  }
0x84: {  	s31 =	simm.s32 $0x5010  }
0x85: {  	s20 =	simm.s32 $0x5490;
	v7 =	vld [tilespmem:s31+$0x0]  }
0x86: {  	p1 =	por $0x0, $0x0;
	v8 =	vld [tilespmem:s20+$0x0];
	p0 =	por $0x0, $0x0;
	s18 =	sadd.s32 $0xFFFFFFFF, s18  }
0x87: {  	p2 =	sne.s32 s18, $0x1  }
.Ltmp7:
0x88: {  	_ = 	snop;
	(pc) =	sbr.rel @!p2 .LBB2_8-.Ltmp7, $4  }
0x89: {  	_ = 	snop  }
0x8a: {  	s19 =	simm.s32 $0x5020  }
0x8b: {  	s31 =	simm.s32 $0x54A0;
	(xrf1) =	vsort.dscd.msk.f32 $0xffff, v7, v8;
	v7 =	vld [tilespmem:s19+$0x0]  }
0x8c: {  	s20 =	sadd.s32 $0xFFFFFFFF, s18;
	p0 =	por $0x1, $0x1;
	v8 =	vld [tilespmem:s31+$0x0]  }
0x8d: {  	_ =	sdelay $0xb  }
0x8e: {  	v9, v10, _ =	vpop (xrf1)  }
0x8f: {  	vm2 =	vge.f32 v6, v9  }
0x90: {  	(xrf1) =	vsort.dscd.msk.f32 $0xffff, v7, v8;
	v8 =	vsel vm2, v6, v9;
	v9 =	vsel vm2, v5, v10  }
0x91: {  	(xrf1) =	vsort.ascd.msk.f32 $0xffff, v8, v9;
	_ =	sdelay $0x6  }
0x92: {  	p2 =	sne.s32 s20, $0x1  }
.Ltmp8:
0x93: {  	_ = 	snop;
	(pc) =	sbr.rel @!p2 .LBB2_11-.Ltmp8, $4  }
0x94: {  	s18 =	simm.s32 $0x5030  }
0x95: {  	s19 =	simm.s32 $0x54B0;
	v7 =	vld [tilespmem:s18+$0x0]  }
0x96: {  	v8 =	vld [tilespmem:s19+$0x0]  }
0x97: {  	s20 =	sadd.s32 $0xFFFFFFFF, s20;
	p1 =	por $0x1, $0x1  }
.LBB2_10:
0x98: {  	p2 =	sne.s32 s20, $0x1;
	v9, v10, _ =	vpop (xrf1)  }
0x99: {  	v12, v11, _ =	vpop (xrf1)  }
0x9a: {  	vm2 =	vge.f32 v12, v9  }
0x9b: {  	(xrf1) =	vsort.dscd.msk.f32 $0xffff, v7, v8;
	v7 =	vsel vm2, v12, v9;
	v8 =	vsel vm2, v11, v10  }
0x9c: {  	(xrf1) =	vsort.ascd.msk.f32 $0xffff, v7, v8;
	_ =	sdelay $0x7  }
.Ltmp9:
0x9d: {  	(pc) =	sbr.rel @p2 .LBB2_10-.Ltmp9, $4  }
0x9e: {  	s18 =	sadd.s32 $0x10, s18  }
0x9f: {  	s19 =	sadd.s32 $0x10, s19;
	v7 =	vld [tilespmem:s18+$0x0]  }
0xa0: {  	v8 =	vld [tilespmem:s19+$0x0]  }
0xa1: {  	s20 =	sadd.s32 $0xFFFFFFFF, s20  }
.LBB2_11:
0xa2: {  	v9, v10, _ =	vpop @p0 (xrf1)  }
0xa3: {  	v11, v12, _ =	vpop @p1 (xrf1)  }
0xa4: {  	v11 =	vpsel p1, v11, v6  }
0xa5: {  	v12 =	vpsel p1, v12, v5;
	vm2 =	vge.f32 @p0 v11, v9  }
0xa6: {  	(xrf1) =	vsort.dscd.msk.f32 $0xffff, v7, v8;
	v7 =	vsel @p0 vm2, v11, v9;
	v8 =	vsel @p0 vm2, v12, v10  }
0xa7: {  	(xrf1) =	vsort.ascd.msk.f32 @p0 $0xffff, v7, v8;
	_ =	sdelay $0xc  }
0xa8: {  	v7, v8, _ =	vpop (xrf1)  }
0xa9: {  	v9, v10, _ =	vpop @p0 (xrf1)  }
0xaa: {  	v6 =	vpsel p0, v9, v6  }
0xab: {  	v5 =	vpsel p0, v10, v5;
	vm2 =	vge.f32 v6, v7  }
0xac: {  	v6 =	vsel vm2, v6, v7;
	v5 =	vsel vm2, v5, v8  }
0xad: {  	(xrf1) =	vsort.ascd.msk.f32 $0xffff, v6, v5;
	_ =	sdelay $0xd  }
0xae: {  	v6, v5, _ =	vpop (xrf1)  }
.LBB2_12:
0xaf: {  	(xrf1) =	vsort.dscd.msk.f32 $0xffff, v6, v5;
	_ =	sdelay $0xd  }
0xb0: {  	_, v5, _ =	vpop (xrf1)  }
0xb1: {  	[tilespmem:s16+$0x6200] =	vst v5  }
0xb2: {  	v5 =	vld [tilespmem:$0x5900]  }
0xb3: {  	v6 =	vld [tilespmem:$0x5D80];
	_ =	sdelay $0x4  }
0xb4: {  	(xrf1) =	vsort.dscd.msk.f32 $0xffff, v5, v6;
	_ =	sdelay $0x1  }
0xb5: {  	s17 =	sadd.s32 $0xF, s17  }
0xb6: {  	s18 =	sand.u32 $0xF, s17  }
0xb7: {  	s31 =	sshra.s32 s17, $0x1F;
	p1 =	slt.s32 s17, $0x1;
	p0 =	sne.s32 s18, $0x0  }
0xb8: {  	s18 =	sshrl.u32 s31, $0x1C;
	p0 =	por !p1, !p0  }
0xb9: {  	s17 =	sadd.s32 s18, s17;
	s18 =	simm.s32 $0x1;
	p0 =	por !p0, !p0  }
0xba: {  	s17 =	sshra.s32 s17, $0x4;
	s18 =	simm.s32 @!p0 $0x0  }
0xbb: {  	s18 =	ssub.s32 s17, s18  }
0xbc: {  	p1 =	slt.s32 s18, $0x2  }
.Ltmp10:
0xbd: {  	_ = 	snop;
	(pc) =	sbr.rel @p1 .LBB2_20-.Ltmp10, $2  }
0xbe: {  	_ =	sdelay $0x2  }
0xbf: {  	v6, v5, _ =	vpop (xrf1)  }
0xc0: {  	s18 =	simm.s32 $0xFFFFFFFF  }
0xc1: {  	s18 =	simm.s32 @!p0 $0x0  }
0xc2: {  	s17 =	sadd.s32 s18, s17  }
0xc3: {  	s17 =	sadd.s32 $0xFFFFFFFF, s17  }
0xc4: {  	p2 =	sne.s32 s17, $0x1  }
.Ltmp11:
0xc5: {  	_ = 	snop;
	(pc) =	sbr.rel @!p2 .LBB2_14-.Ltmp11, $4  }
0xc6: {  	_ = 	snop  }
0xc7: {  	s31 =	simm.s32 $0x5910  }
0xc8: {  	s19 =	simm.s32 $0x5D90;
	v7 =	vld [tilespmem:s31+$0x0]  }
0xc9: {  	p1 =	por $0x0, $0x0;
	v8 =	vld [tilespmem:s19+$0x0];
	p0 =	por $0x0, $0x0;
	s17 =	sadd.s32 $0xFFFFFFFF, s17  }
0xca: {  	_ =	sdelay $0x3  }
0xcb: {  	(xrf1) =	vsort.ascd.msk.f32 $0xffff, v7, v8;
	_ =	sdelay $0x7  }
0xcc: {  	p2 =	sne.s32 s17, $0x1  }
.Ltmp12:
0xcd: {  	_ = 	snop;
	(pc) =	sbr.rel @!p2 .LBB2_16-.Ltmp12, $4  }
0xce: {  	_ = 	snop  }
0xcf: {  	s18 =	simm.s32 $0x5920  }
0xd0: {  	s31 =	simm.s32 $0x5DA0;
	v7 =	vld [tilespmem:s18+$0x0]  }
0xd1: {  	s19 =	sadd.s32 $0xFFFFFFFF, s17;
	p0 =	por $0x1, $0x1;
	v8 =	vld [tilespmem:s31+$0x0]  }
0xd2: {  	_ =	sdelay $0x1  }
0xd3: {  	v9, v10, _ =	vpop (xrf1)  }
0xd4: {  	vm2 =	vle.f32 v6, v9  }
0xd5: {  	(xrf1) =	vsort.ascd.msk.f32 $0xffff, v7, v8;
	v8 =	vsel vm2, v6, v9;
	v9 =	vsel vm2, v5, v10  }
0xd6: {  	(xrf1) =	vsort.dscd.msk.f32 $0xffff, v8, v9;
	_ =	sdelay $0x6  }
0xd7: {  	p2 =	sne.s32 s19, $0x1  }
.Ltmp13:
0xd8: {  	_ = 	snop;
	(pc) =	sbr.rel @!p2 .LBB2_19-.Ltmp13, $4  }
0xd9: {  	s17 =	simm.s32 $0x5930  }
0xda: {  	s18 =	simm.s32 $0x5DB0;
	v7 =	vld [tilespmem:s17+$0x0]  }
0xdb: {  	v8 =	vld [tilespmem:s18+$0x0]  }
0xdc: {  	s19 =	sadd.s32 $0xFFFFFFFF, s19;
	p1 =	por $0x1, $0x1  }
.LBB2_18:
0xdd: {  	p2 =	sne.s32 s19, $0x1;
	v9, v10, _ =	vpop (xrf1)  }
0xde: {  	v12, v11, _ =	vpop (xrf1)  }
0xdf: {  	vm2 =	vle.f32 v12, v9  }
0xe0: {  	(xrf1) =	vsort.ascd.msk.f32 $0xffff, v7, v8;
	v7 =	vsel vm2, v12, v9;
	v8 =	vsel vm2, v11, v10  }
0xe1: {  	(xrf1) =	vsort.dscd.msk.f32 $0xffff, v7, v8;
	_ =	sdelay $0x7  }
.Ltmp14:
0xe2: {  	(pc) =	sbr.rel @p2 .LBB2_18-.Ltmp14, $4  }
0xe3: {  	s17 =	sadd.s32 $0x10, s17  }
0xe4: {  	s18 =	sadd.s32 $0x10, s18;
	v7 =	vld [tilespmem:s17+$0x0]  }
0xe5: {  	v8 =	vld [tilespmem:s18+$0x0]  }
0xe6: {  	s19 =	sadd.s32 $0xFFFFFFFF, s19  }
.Ltmp15:
0xe7: {  	_ = 	snop;
	(pc) =	sbr.rel .LBB2_19-.Ltmp15, $1  }
0xe8: {  	_ =	sdelay $0x3  }
.LBB2_6:
.Ltmp16:
0xe9: {  	(pc) =	sbr.rel .LBB2_11-.Ltmp16, $2  }
0xea: {  	_ =	sdelay $0x2  }
0xeb: {  	_ = 	snop  }
.LBB2_8:
.Ltmp17:
0xec: {  	(pc) =	sbr.rel .LBB2_11-.Ltmp17, $2  }
0xed: {  	_ =	sdelay $0x2  }
0xee: {  	_ = 	snop  }
.LBB2_16:
.Ltmp18:
0xef: {  	(pc) =	sbr.rel .LBB2_19-.Ltmp18, $2  }
0xf0: {  	_ =	sdelay $0x2  }
0xf1: {  	_ = 	snop  }
.LBB2_22:
0xf2: {  	_ =	sfence.sel $0x180000  }
0xf3: {  	[bflag:$0x0] =	sbarrier.arrive $0xFFFF  }
0xf4: {  	p0 =	sne.s32 s1, $0x0;
	_ =	strace $0x90000047  }
0xf5: {  	s0 =	sadd.s32 @!p0 $0x100000, s0;
	[bflag:$0x2] =	sbarrier.arrive $0xFFFF  }
0xf6: {  	[sflag:s0] =	ssyncadd.tile.s32 @!p0 $0x1;
	_ =	shalt  }
.Lfunc_end2:
_tile_overlayer_lowered:
.L_overlay_start_2:
0xf7: {  	(tag) =	ssettag $0x2  }
0xf8: {  	s0 =	rddreg [dreg:$0x0];
	s2 =	stileid.u32  }
0xf9: {  	s1 =	rddreg [dreg:$0x1];
	p0 =	sne.s32 s2, $0x0  }
0xfa: {  	s3 =	rddreg [dreg:$0x2];
	[bflag:$0x3] =	sbarrier.arrive $0xFFFF;
	s2 =	simm.s32 @!p0 $0x1C01  }
0xfb: {  	[timem:s3], [sflag:s2] =	dma.local @!p0 [hbm:s0], s1  }
0xfc: {  	s0 =	simm.s32 @!p0 $0x1  }
0xfd: {  	_ =	swait.ge @!p0 [sflag:s0], s1  }
0xfe: {  	s1 =	ssub.s32 @!p0 $0x0, s1;
	[sflag:s0] =	ssyncset.done @!p0 $0x0  }
0xff: {  	[sflag:s0] =	ssyncadd.s32 @!p0 s1  }
0x100: {  	[bflag:$0x3] =	sbarrier.arrive $0xFFFF  }
0x101: {  	_ =	shalt  }

</sc_bundles>
